<compile_context>
chip_gen: v7x
topology: tpu7x:2x2x1
jax: 0.10.2.dev20260603
libtpu: 0.0.44.dev20260713+nightly
codegen_flags: <defaults>
</compile_context>

<pallas_src>
import functools

import jax
import jax.numpy as jnp
from jax import lax
from jax.experimental import pallas as pl
from jax.experimental.pallas import tpu as pltpu
from jax.experimental.pallas import tpu_sc as plsc

D_MODEL = 1024
B_TOK = 4 * 8192
NC, NS = 2, 16
NW = NC * NS
B_PER_W = B_TOK // NW
L = 16
N_GROUPS = B_PER_W // L
ND = D_MODEL // L


@functools.partial(
    pl.kernel,
    out_type=jax.ShapeDtypeStruct((B_TOK, D_MODEL), jnp.float32),
    mesh=plsc.VectorSubcoreMesh(core_axis_name="c", subcore_axis_name="s"),
    scratch_types=[
        pltpu.VMEM((B_PER_W,), jnp.int32),
        pltpu.VMEM((2 * L, 1, D_MODEL), jnp.float32),
        pltpu.SemaphoreType.DMA,
    ],
)
def _embed_lookup(sid_hbm, rep_hbm, out_hbm, idx_v, rep, sem):
    wid = lax.axis_index("s") * NC + lax.axis_index("c")
    base = wid * B_PER_W
    row = wid // 8
    col = (wid % 8) * B_PER_W

    idx_cp = pltpu.async_copy(sid_hbm.at[row, pl.ds(col, B_PER_W)], idx_v, sem)
    pltpu.sync_copy(rep_hbm, rep)

    idx_cp.wait()
    iot = lax.iota(jnp.int32, L)

    def group_body(g, carry):
        off = pl.multiple_of(g * L, L)
        sv = idx_v[pl.ds(off, L)]
        pos = iot + (base + off)
        comp = sv * 65536 + pos
        for lgk in (1, 2, 3, 4):
            for lgj in range(lgk - 1, -1, -1):
                cp = comp[iot ^ (1 << lgj)]
                takemin = (((iot >> lgj) & 1) ^ ((iot >> lgk) & 1)) == 0
                comp = jnp.where(takemin, jnp.minimum(comp, cp),
                                 jnp.maximum(comp, cp))
        dvec = comp & 65535
        ps = sv
        for sft in (1, 2, 4, 8):
            shifted = ps[jnp.maximum(iot - sft, 0)]
            ps = ps + jnp.where(iot >= sft, shifted, 0)
        n1 = ps[L - 1]
        pltpu.async_copy(rep.at[pl.ds(n1, L), 0], out_hbm.at[dvec], sem)
        return carry

    lax.fori_loop(0, N_GROUPS, group_body, 0)

    pltpu.make_async_copy(
        out_hbm.at[pl.ds(base, B_PER_W)],
        out_hbm.at[pl.ds(base, B_PER_W)], sem).wait()


def kernel(segment_ids, emb_weight):
    sid = segment_ids.astype(jnp.int32)
    rep_hbm = jnp.repeat(emb_weight, L, axis=0).reshape(2 * L, 1, D_MODEL)
    out = _embed_lookup(sid, rep_hbm)
    return out.reshape(segment_ids.shape[0], segment_ids.shape[1], D_MODEL)

# --- scband reference (transcript-rebuilt; emitter-appended) ---
"""Pipeline reference for scband-segment-embedding-20925080666603 (READ-ONLY COPY).

The authoritative reference and input builder live on the scoring server;
editing this copy changes nothing except your own understanding.
"""

import jax, jax.numpy as jnp
import numpy as np

D_MODEL = 1024

def setup_inputs(seed: int = 0) -> dict:
    key = jax.random.key(seed)
    k1, k2 = jax.random.split(key)
    segment_ids = jax.random.randint(k1, (4, 8192), 0, 2, dtype=jnp.int64 if jax.config.read('jax_enable_x64') else jnp.int32)
    emb_weight = jax.random.normal(k2, (2, D_MODEL), dtype=jnp.float32) * 0.02
    return {"segment_ids": segment_ids, "emb_weight": emb_weight}

def reference(segment_ids, emb_weight):
    # nn.Embedding lookup: (batch, seq_len) -> (batch, seq_len, d_model)
    return jnp.take(emb_weight, segment_ids, axis=0)

if __name__ == "__main__":
    import jax
    _d = setup_inputs()
    print(jax.jit(kernel)(*tuple(_d.values())))

</pallas_src>

<mosaic_0001>
#map = affine_map<(d0, d1) -> (0, 0)>
#map1 = affine_map<(d0, d1) -> (0, 0, 0)>
module attributes {stable_mosaic.version = 14 : i64} {
  func.func @_embed_lookup(%arg0: i32, %arg1: i32, %arg2: memref<4x8192xi32, #tpu.memory_space<hbm>>, %arg3: memref<32x1x1024xf32, #tpu.memory_space<hbm>>, %arg4: memref<32768x1024xf32, #tpu.memory_space<hbm>>, %arg5: memref<1024xi32, #tpu.memory_space<vmem>>, %arg6: memref<32x1x1024xf32, #tpu.memory_space<vmem>>, %arg7: memref<!tpu.dma_semaphore, #tpu.memory_space<semaphore_mem>>) attributes {dimension_semantics = [#tpu.dimension_semantics<core_parallel>, #tpu.dimension_semantics<subcore_parallel>], iteration_bounds = array<i64: 2, 16>, scalar_prefetch = 0 : i64, scratch_operands = 3 : i64, tpu.core_type = #tpu.core_type<sc_vector_subcore>, window_params = [{transform_indices = #map}, {transform_indices = #map1}, {transform_indices = #map}]} {
    %mul3A = arith.constant 2 : i32
    %mul3A_0 = arith.muli %arg1, %mul3A : i32
    %add3A = arith.addi %mul3A_0, %arg0 : i32
    %mul3A_1 = arith.constant 1024 : i32
    %mul3A_2 = arith.muli %add3A, %mul3A_1 : i32
    %jit3A = arith.constant 8 : i32
    %div3A = arith.divsi %add3A, %jit3A : i32
    %sign3A = arith.constant 0 : i32
    %sign3A_3 = arith.cmpi sgt, %add3A, %sign3A : i32
    %sign3A_4 = arith.extui %sign3A_3 : i1 to i32
    %sign3A_5 = arith.constant 0 : i32
    %sign3A_6 = arith.cmpi slt, %add3A, %sign3A_5 : i32
    %sign3A_7 = arith.extui %sign3A_6 : i1 to i32
    %sign3A_8 = arith.subi %sign3A_4, %sign3A_7 : i32
    %sign3A_9 = arith.constant 0 : i32
    %sign3A_10 = arith.cmpi sgt, %jit3A, %sign3A_9 : i32
    %sign3A_11 = arith.extui %sign3A_10 : i1 to i32
    %sign3A_12 = arith.constant 0 : i32
    %sign3A_13 = arith.cmpi slt, %jit3A, %sign3A_12 : i32
    %sign3A_14 = arith.extui %sign3A_13 : i1 to i32
    %sign3A_15 = arith.subi %sign3A_11, %sign3A_14 : i32
    %ne3A = arith.cmpi ne, %sign3A_8, %sign3A_15 : i32
    %rem3A = arith.remsi %add3A, %jit3A : i32
    %ne3A_16 = arith.constant 0 : i32
    %ne3A_17 = arith.cmpi ne, %rem3A, %ne3A_16 : i32
    %and3A = arith.andi %ne3A, %ne3A_17 : i1
    %sub3A = arith.constant 1 : i32
    %sub3A_18 = arith.subi %div3A, %sub3A : i32
    %select_n3A = arith.select %and3A, %sub3A_18, %div3A : i32
    %jit3A_19 = arith.constant 8 : i32
    %eq3A = arith.constant 0 : i32
    %eq3A_20 = arith.cmpi eq, %jit3A_19, %eq3A : i32
    %jit3A_21 = arith.constant 1 : i32
    %select_n3A_22 = arith.select %eq3A_20, %jit3A_21, %jit3A_19 : i32
    %rem3A_23 = arith.remsi %add3A, %select_n3A_22 : i32
    %ne3A_24 = arith.constant 0 : i32
    %ne3A_25 = arith.cmpi ne, %rem3A_23, %ne3A_24 : i32
    %lt3A = arith.constant 0 : i32
    %lt3A_26 = arith.cmpi slt, %rem3A_23, %lt3A : i32
    %lt3A_27 = arith.constant 0 : i32
    %lt3A_28 = arith.cmpi slt, %select_n3A_22, %lt3A_27 : i32
    %ne3A_29 = arith.xori %lt3A_26, %lt3A_28 : i1
    %and3A_30 = arith.andi %ne3A_29, %ne3A_25 : i1
    %add3A_31 = arith.addi %rem3A_23, %select_n3A_22 : i32
    %select_n3A_32 = arith.select %and3A_30, %add3A_31, %rem3A_23 : i32
    %mul3A_33 = arith.constant 1024 : i32
    %mul3A_34 = arith.muli %select_n3A_32, %mul3A_33 : i32
    %dma_start3A = tpu.memref_slice %arg2[%select_n3A, %mul3A_34] : memref<4x8192xi32, #tpu.memory_space<hbm>> -> memref<1x1024xi32, #tpu.memory_space<hbm>>
    %dma_start3A_35 = tpu.memref_squeeze %dma_start3A : memref<1x1024xi32, #tpu.memory_space<hbm>> -> memref<1024xi32, #tpu.memory_space<hbm>>
    %dma_start3A_36 = tpu.memref_slice %arg2[%select_n3A, %mul3A_34] : memref<4x8192xi32, #tpu.memory_space<hbm>> -> memref<1x1024xi32, #tpu.memory_space<hbm>>
    %dma_start3A_37 = tpu.memref_squeeze %dma_start3A_36 : memref<1x1024xi32, #tpu.memory_space<hbm>> -> memref<1024xi32, #tpu.memory_space<hbm>>
    tpu.enqueue_dma source(%dma_start3A_37 : memref<1024xi32, #tpu.memory_space<hbm>>) target(%arg5 : memref<1024xi32, #tpu.memory_space<vmem>>) target_semaphore(%arg7 : memref<!tpu.dma_semaphore, #tpu.memory_space<semaphore_mem>>)
    "tpu.region"() ({
      %run_scoped3A = tpu.sem_alloc : memref<!tpu.dma_semaphore, #tpu.memory_space<semaphore_mem>>
      tpu.enqueue_dma source(%arg3 : memref<32x1x1024xf32, #tpu.memory_space<hbm>>) target(%arg6 : memref<32x1x1024xf32, #tpu.memory_space<vmem>>) target_semaphore(%run_scoped3A : memref<!tpu.dma_semaphore, #tpu.memory_space<semaphore_mem>>)
      tpu.wait_dma2 semaphore(%run_scoped3A : memref<!tpu.dma_semaphore, #tpu.memory_space<semaphore_mem>>) src(%arg3 : memref<32x1x1024xf32, #tpu.memory_space<hbm>>) dst(%arg6 : memref<32x1x1024xf32, #tpu.memory_space<vmem>>)
      tpu.yield
    }) : () -> ()
    %dma_wait3A = tpu.memref_slice %arg2[%select_n3A, %mul3A_34] : memref<4x8192xi32, #tpu.memory_space<hbm>> -> memref<1x1024xi32, #tpu.memory_space<hbm>>
    %dma_wait3A_38 = tpu.memref_squeeze %dma_wait3A : memref<1x1024xi32, #tpu.memory_space<hbm>> -> memref<1024xi32, #tpu.memory_space<hbm>>
    %dma_wait3A_39 = tpu.memref_slice %arg2[%select_n3A, %mul3A_34] : memref<4x8192xi32, #tpu.memory_space<hbm>> -> memref<1x1024xi32, #tpu.memory_space<hbm>>
    %dma_wait3A_40 = tpu.memref_squeeze %dma_wait3A_39 : memref<1x1024xi32, #tpu.memory_space<hbm>> -> memref<1024xi32, #tpu.memory_space<hbm>>
    tpu.wait_dma2 semaphore(%arg7 : memref<!tpu.dma_semaphore, #tpu.memory_space<semaphore_mem>>) src(%dma_wait3A_40 : memref<1024xi32, #tpu.memory_space<hbm>>) dst(%arg5 : memref<1024xi32, #tpu.memory_space<vmem>>)
    %iota3A = tpu.iota {dimensions = array<i32: 0>} : vector<16xi32>
    %scan3A = arith.constant 0 : i32
    %scan3A_41 = arith.constant 0 : i32
    %scan3A_42 = arith.constant 64 : i32
    %scan3A_43 = arith.addi %scan3A_41, %scan3A_42 : i32
    %scan3A_44 = arith.constant 1 : i32
    scf.for %scan3A_50 = %scan3A_41 to %scan3A_43 step %scan3A_44  : i32 {
      %mul3A_51 = arith.constant 16 : i32
      %mul3A_52 = arith.muli %scan3A_50, %mul3A_51 : i32
      %multiple_of3A = tpu.assume_multiple %mul3A_52, 16 : i32
      %get3A = arith.index_cast %multiple_of3A : i32 to index
      %get3A_53 = tpu.vector_load %arg5[%get3A] {strides = array<i32>} : memref<1024xi32, #tpu.memory_space<vmem>>, vector<16xi32>,
      %get3A_54 = vector.shape_cast %get3A_53 : vector<16xi32> to vector<16xi32>
      %add3A_55 = arith.addi %mul3A_2, %multiple_of3A : i32
      %add3A_56 = vector.broadcast %add3A_55 : i32 to vector<16xi32>
      %add3A_57 = arith.addi %iota3A, %add3A_56 : vector<16xi32>
      %mul3A_58 = arith.constant 65536 : i32
      %mul3A_59 = vector.broadcast %mul3A_58 : i32 to vector<16xi32>
      %mul3A_60 = arith.muli %get3A_54, %mul3A_59 : vector<16xi32>
      %add3A_61 = arith.addi %mul3A_60, %add3A_57 : vector<16xi32>
      %xor3A = arith.constant 1 : i32
      %xor3A_62 = vector.broadcast %xor3A : i32 to vector<16xi32>
      %xor3A_63 = arith.xori %iota3A, %xor3A_62 : vector<16xi32>
      %lt3A_64 = arith.constant 0 : i32
      %lt3A_65 = vector.broadcast %lt3A_64 : i32 to vector<16xi32>
      %lt3A_66 = arith.cmpi slt, %xor3A_63, %lt3A_65 : vector<16xi32>
      %add3A_67 = arith.constant 16 : i32
      %add3A_68 = vector.broadcast %add3A_67 : i32 to vector<16xi32>
      %add3A_69 = arith.addi %xor3A_63, %add3A_68 : vector<16xi32>
      %select_n3A_70 = arith.select %lt3A_66, %add3A_69, %xor3A_63 : vector<16xi1>, vector<16xi32>
      %broadcast_in_dim3A = vector.shape_cast %select_n3A_70 : vector<16xi32> to vector<16x1xi32>
      %gather3A = vector.shape_cast %broadcast_in_dim3A : vector<16x1xi32> to vector<16xi32>
      %gather3A_71 = tpu.dynamic_gather %add3A_61[%gather3A] in [0] : vector<16xi32>, vector<16xi32> -> vector<16xi32>
      %shift_right_arithmetic3A = arith.constant 0 : i32
      %shift_right_arithmetic3A_72 = vector.broadcast %shift_right_arithmetic3A : i32 to vector<16xi32>
      %shift_right_arithmetic3A_73 = arith.shrsi %iota3A, %shift_right_arithmetic3A_72 : vector<16xi32>
      %and3A_74 = arith.constant 1 : i32
      %and3A_75 = vector.broadcast %and3A_74 : i32 to vector<16xi32>
      %and3A_76 = arith.andi %shift_right_arithmetic3A_73, %and3A_75 : vector<16xi32>
      %shift_right_arithmetic3A_77 = arith.constant 1 : i32
      %shift_right_arithmetic3A_78 = vector.broadcast %shift_right_arithmetic3A_77 : i32 to vector<16xi32>
      %shift_right_arithmetic3A_79 = arith.shrsi %iota3A, %shift_right_arithmetic3A_78 : vector<16xi32>
      %and3A_80 = arith.constant 1 : i32
      %and3A_81 = vector.broadcast %and3A_80 : i32 to vector<16xi32>
      %and3A_82 = arith.andi %shift_right_arithmetic3A_79, %and3A_81 : vector<16xi32>
      %xor3A_83 = arith.xori %and3A_76, %and3A_82 : vector<16xi32>
      %eq3A_84 = arith.constant 0 : i32
      %eq3A_85 = vector.broadcast %eq3A_84 : i32 to vector<16xi32>
      %eq3A_86 = arith.cmpi eq, %xor3A_83, %eq3A_85 : vector<16xi32>
      %min3A = arith.minsi %add3A_61, %gather3A_71 : vector<16xi32>
      %max3A = arith.maxsi %add3A_61, %gather3A_71 : vector<16xi32>
      %select_n3A_87 = arith.select %eq3A_86, %min3A, %max3A : vector<16xi1>, vector<16xi32>
      %xor3A_88 = arith.constant 2 : i32
      %xor3A_89 = vector.broadcast %xor3A_88 : i32 to vector<16xi32>
      %xor3A_90 = arith.xori %iota3A, %xor3A_89 : vector<16xi32>
      %lt3A_91 = arith.constant 0 : i32
      %lt3A_92 = vector.broadcast %lt3A_91 : i32 to vector<16xi32>
      %lt3A_93 = arith.cmpi slt, %xor3A_90, %lt3A_92 : vector<16xi32>
      %add3A_94 = arith.constant 16 : i32
      %add3A_95 = vector.broadcast %add3A_94 : i32 to vector<16xi32>
      %add3A_96 = arith.addi %xor3A_90, %add3A_95 : vector<16xi32>
      %select_n3A_97 = arith.select %lt3A_93, %add3A_96, %xor3A_90 : vector<16xi1>, vector<16xi32>
      %broadcast_in_dim3A_98 = vector.shape_cast %select_n3A_97 : vector<16xi32> to vector<16x1xi32>
      %gather3A_99 = vector.shape_cast %broadcast_in_dim3A_98 : vector<16x1xi32> to vector<16xi32>
      %gather3A_100 = tpu.dynamic_gather %select_n3A_87[%gather3A_99] in [0] : vector<16xi32>, vector<16xi32> -> vector<16xi32>
      %shift_right_arithmetic3A_101 = arith.constant 1 : i32
      %shift_right_arithmetic3A_102 = vector.broadcast %shift_right_arithmetic3A_101 : i32 to vector<16xi32>
      %shift_right_arithmetic3A_103 = arith.shrsi %iota3A, %shift_right_arithmetic3A_102 : vector<16xi32>
      %and3A_104 = arith.constant 1 : i32
      %and3A_105 = vector.broadcast %and3A_104 : i32 to vector<16xi32>
      %and3A_106 = arith.andi %shift_right_arithmetic3A_103, %and3A_105 : vector<16xi32>
      %shift_right_arithmetic3A_107 = arith.constant 2 : i32
      %shift_right_arithmetic3A_108 = vector.broadcast %shift_right_arithmetic3A_107 : i32 to vector<16xi32>
      %shift_right_arithmetic3A_109 = arith.shrsi %iota3A, %shift_right_arithmetic3A_108 : vector<16xi32>
      %and3A_110 = arith.constant 1 : i32
      %and3A_111 = vector.broadcast %and3A_110 : i32 to vector<16xi32>
      %and3A_112 = arith.andi %shift_right_arithmetic3A_109, %and3A_111 : vector<16xi32>
      %xor3A_113 = arith.xori %and3A_106, %and3A_112 : vector<16xi32>
      %eq3A_114 = arith.constant 0 : i32
      %eq3A_115 = vector.broadcast %eq3A_114 : i32 to vector<16xi32>
      %eq3A_116 = arith.cmpi eq, %xor3A_113, %eq3A_115 : vector<16xi32>
      %min3A_117 = arith.minsi %select_n3A_87, %gather3A_100 : vector<16xi32>
      %max3A_118 = arith.maxsi %select_n3A_87, %gather3A_100 : vector<16xi32>
      %select_n3A_119 = arith.select %eq3A_116, %min3A_117, %max3A_118 : vector<16xi1>, vector<16xi32>
      %xor3A_120 = arith.constant 1 : i32
      %xor3A_121 = vector.broadcast %xor3A_120 : i32 to vector<16xi32>
      %xor3A_122 = arith.xori %iota3A, %xor3A_121 : vector<16xi32>
      %lt3A_123 = arith.constant 0 : i32
      %lt3A_124 = vector.broadcast %lt3A_123 : i32 to vector<16xi32>
      %lt3A_125 = arith.cmpi slt, %xor3A_122, %lt3A_124 : vector<16xi32>
      %add3A_126 = arith.constant 16 : i32
      %add3A_127 = vector.broadcast %add3A_126 : i32 to vector<16xi32>
      %add3A_128 = arith.addi %xor3A_122, %add3A_127 : vector<16xi32>
      %select_n3A_129 = arith.select %lt3A_125, %add3A_128, %xor3A_122 : vector<16xi1>, vector<16xi32>
      %broadcast_in_dim3A_130 = vector.shape_cast %select_n3A_129 : vector<16xi32> to vector<16x1xi32>
      %gather3A_131 = vector.shape_cast %broadcast_in_dim3A_130 : vector<16x1xi32> to vector<16xi32>
      %gather3A_132 = tpu.dynamic_gather %select_n3A_119[%gather3A_131] in [0] : vector<16xi32>, vector<16xi32> -> vector<16xi32>
      %shift_right_arithmetic3A_133 = arith.constant 0 : i32
      %shift_right_arithmetic3A_134 = vector.broadcast %shift_right_arithmetic3A_133 : i32 to vector<16xi32>
      %shift_right_arithmetic3A_135 = arith.shrsi %iota3A, %shift_right_arithmetic3A_134 : vector<16xi32>
      %and3A_136 = arith.constant 1 : i32
      %and3A_137 = vector.broadcast %and3A_136 : i32 to vector<16xi32>
      %and3A_138 = arith.andi %shift_right_arithmetic3A_135, %and3A_137 : vector<16xi32>
      %shift_right_arithmetic3A_139 = arith.constant 2 : i32
      %shift_right_arithmetic3A_140 = vector.broadcast %shift_right_arithmetic3A_139 : i32 to vector<16xi32>
      %shift_right_arithmetic3A_141 = arith.shrsi %iota3A, %shift_right_arithmetic3A_140 : vector<16xi32>
      %and3A_142 = arith.constant 1 : i32
      %and3A_143 = vector.broadcast %and3A_142 : i32 to vector<16xi32>
      %and3A_144 = arith.andi %shift_right_arithmetic3A_141, %and3A_143 : vector<16xi32>
      %xor3A_145 = arith.xori %and3A_138, %and3A_144 : vector<16xi32>
      %eq3A_146 = arith.constant 0 : i32
      %eq3A_147 = vector.broadcast %eq3A_146 : i32 to vector<16xi32>
      %eq3A_148 = arith.cmpi eq, %xor3A_145, %eq3A_147 : vector<16xi32>
      %min3A_149 = arith.minsi %select_n3A_119, %gather3A_132 : vector<16xi32>
      %max3A_150 = arith.maxsi %select_n3A_119, %gather3A_132 : vector<16xi32>
      %select_n3A_151 = arith.select %eq3A_148, %min3A_149, %max3A_150 : vector<16xi1>, vector<16xi32>
      %xor3A_152 = arith.constant 4 : i32
      %xor3A_153 = vector.broadcast %xor3A_152 : i32 to vector<16xi32>
      %xor3A_154 = arith.xori %iota3A, %xor3A_153 : vector<16xi32>
      %lt3A_155 = arith.constant 0 : i32
      %lt3A_156 = vector.broadcast %lt3A_155 : i32 to vector<16xi32>
      %lt3A_157 = arith.cmpi slt, %xor3A_154, %lt3A_156 : vector<16xi32>
      %add3A_158 = arith.constant 16 : i32
      %add3A_159 = vector.broadcast %add3A_158 : i32 to vector<16xi32>
      %add3A_160 = arith.addi %xor3A_154, %add3A_159 : vector<16xi32>
      %select_n3A_161 = arith.select %lt3A_157, %add3A_160, %xor3A_154 : vector<16xi1>, vector<16xi32>
      %broadcast_in_dim3A_162 = vector.shape_cast %select_n3A_161 : vector<16xi32> to vector<16x1xi32>
      %gather3A_163 = vector.shape_cast %broadcast_in_dim3A_162 : vector<16x1xi32> to vector<16xi32>
      %gather3A_164 = tpu.dynamic_gather %select_n3A_151[%gather3A_163] in [0] : vector<16xi32>, vector<16xi32> -> vector<16xi32>
      %shift_right_arithmetic3A_165 = arith.constant 2 : i32
      %shift_right_arithmetic3A_166 = vector.broadcast %shift_right_arithmetic3A_165 : i32 to vector<16xi32>
      %shift_right_arithmetic3A_167 = arith.shrsi %iota3A, %shift_right_arithmetic3A_166 : vector<16xi32>
      %and3A_168 = arith.constant 1 : i32
      %and3A_169 = vector.broadcast %and3A_168 : i32 to vector<16xi32>
      %and3A_170 = arith.andi %shift_right_arithmetic3A_167, %and3A_169 : vector<16xi32>
      %shift_right_arithmetic3A_171 = arith.constant 3 : i32
      %shift_right_arithmetic3A_172 = vector.broadcast %shift_right_arithmetic3A_171 : i32 to vector<16xi32>
      %shift_right_arithmetic3A_173 = arith.shrsi %iota3A, %shift_right_arithmetic3A_172 : vector<16xi32>
      %and3A_174 = arith.constant 1 : i32
      %and3A_175 = vector.broadcast %and3A_174 : i32 to vector<16xi32>
      %and3A_176 = arith.andi %shift_right_arithmetic3A_173, %and3A_175 : vector<16xi32>
      %xor3A_177 = arith.xori %and3A_170, %and3A_176 : vector<16xi32>
      %eq3A_178 = arith.constant 0 : i32
      %eq3A_179 = vector.broadcast %eq3A_178 : i32 to vector<16xi32>
      %eq3A_180 = arith.cmpi eq, %xor3A_177, %eq3A_179 : vector<16xi32>
      %min3A_181 = arith.minsi %select_n3A_151, %gather3A_164 : vector<16xi32>
      %max3A_182 = arith.maxsi %select_n3A_151, %gather3A_164 : vector<16xi32>
      %select_n3A_183 = arith.select %eq3A_180, %min3A_181, %max3A_182 : vector<16xi1>, vector<16xi32>
      %xor3A_184 = arith.constant 2 : i32
      %xor3A_185 = vector.broadcast %xor3A_184 : i32 to vector<16xi32>
      %xor3A_186 = arith.xori %iota3A, %xor3A_185 : vector<16xi32>
      %lt3A_187 = arith.constant 0 : i32
      %lt3A_188 = vector.broadcast %lt3A_187 : i32 to vector<16xi32>
      %lt3A_189 = arith.cmpi slt, %xor3A_186, %lt3A_188 : vector<16xi32>
      %add3A_190 = arith.constant 16 : i32
      %add3A_191 = vector.broadcast %add3A_190 : i32 to vector<16xi32>
      %add3A_192 = arith.addi %xor3A_186, %add3A_191 : vector<16xi32>
      %select_n3A_193 = arith.select %lt3A_189, %add3A_192, %xor3A_186 : vector<16xi1>, vector<16xi32>
      %broadcast_in_dim3A_194 = vector.shape_cast %select_n3A_193 : vector<16xi32> to vector<16x1xi32>
      %gather3A_195 = vector.shape_cast %broadcast_in_dim3A_194 : vector<16x1xi32> to vector<16xi32>
      %gather3A_196 = tpu.dynamic_gather %select_n3A_183[%gather3A_195] in [0] : vector<16xi32>, vector<16xi32> -> vector<16xi32>
      %shift_right_arithmetic3A_197 = arith.constant 1 : i32
      %shift_right_arithmetic3A_198 = vector.broadcast %shift_right_arithmetic3A_197 : i32 to vector<16xi32>
      %shift_right_arithmetic3A_199 = arith.shrsi %iota3A, %shift_right_arithmetic3A_198 : vector<16xi32>
      %and3A_200 = arith.constant 1 : i32
      %and3A_201 = vector.broadcast %and3A_200 : i32 to vector<16xi32>
      %and3A_202 = arith.andi %shift_right_arithmetic3A_199, %and3A_201 : vector<16xi32>
      %shift_right_arithmetic3A_203 = arith.constant 3 : i32
      %shift_right_arithmetic3A_204 = vector.broadcast %shift_right_arithmetic3A_203 : i32 to vector<16xi32>
      %shift_right_arithmetic3A_205 = arith.shrsi %iota3A, %shift_right_arithmetic3A_204 : vector<16xi32>
      %and3A_206 = arith.constant 1 : i32
      %and3A_207 = vector.broadcast %and3A_206 : i32 to vector<16xi32>
      %and3A_208 = arith.andi %shift_right_arithmetic3A_205, %and3A_207 : vector<16xi32>
      %xor3A_209 = arith.xori %and3A_202, %and3A_208 : vector<16xi32>
      %eq3A_210 = arith.constant 0 : i32
      %eq3A_211 = vector.broadcast %eq3A_210 : i32 to vector<16xi32>
      %eq3A_212 = arith.cmpi eq, %xor3A_209, %eq3A_211 : vector<16xi32>
      %min3A_213 = arith.minsi %select_n3A_183, %gather3A_196 : vector<16xi32>
      %max3A_214 = arith.maxsi %select_n3A_183, %gather3A_196 : vector<16xi32>
      %select_n3A_215 = arith.select %eq3A_212, %min3A_213, %max3A_214 : vector<16xi1>, vector<16xi32>
      %xor3A_216 = arith.constant 1 : i32
      %xor3A_217 = vector.broadcast %xor3A_216 : i32 to vector<16xi32>
      %xor3A_218 = arith.xori %iota3A, %xor3A_217 : vector<16xi32>
      %lt3A_219 = arith.constant 0 : i32
      %lt3A_220 = vector.broadcast %lt3A_219 : i32 to vector<16xi32>
      %lt3A_221 = arith.cmpi slt, %xor3A_218, %lt3A_220 : vector<16xi32>
      %add3A_222 = arith.constant 16 : i32
      %add3A_223 = vector.broadcast %add3A_222 : i32 to vector<16xi32>
      %add3A_224 = arith.addi %xor3A_218, %add3A_223 : vector<16xi32>
      %select_n3A_225 = arith.select %lt3A_221, %add3A_224, %xor3A_218 : vector<16xi1>, vector<16xi32>
      %broadcast_in_dim3A_226 = vector.shape_cast %select_n3A_225 : vector<16xi32> to vector<16x1xi32>
      %gather3A_227 = vector.shape_cast %broadcast_in_dim3A_226 : vector<16x1xi32> to vector<16xi32>
      %gather3A_228 = tpu.dynamic_gather %select_n3A_215[%gather3A_227] in [0] : vector<16xi32>, vector<16xi32> -> vector<16xi32>
      %shift_right_arithmetic3A_229 = arith.constant 0 : i32
      %shift_right_arithmetic3A_230 = vector.broadcast %shift_right_arithmetic3A_229 : i32 to vector<16xi32>
      %shift_right_arithmetic3A_231 = arith.shrsi %iota3A, %shift_right_arithmetic3A_230 : vector<16xi32>
      %and3A_232 = arith.constant 1 : i32
      %and3A_233 = vector.broadcast %and3A_232 : i32 to vector<16xi32>
      %and3A_234 = arith.andi %shift_right_arithmetic3A_231, %and3A_233 : vector<16xi32>
      %shift_right_arithmetic3A_235 = arith.constant 3 : i32
      %shift_right_arithmetic3A_236 = vector.broadcast %shift_right_arithmetic3A_235 : i32 to vector<16xi32>
      %shift_right_arithmetic3A_237 = arith.shrsi %iota3A, %shift_right_arithmetic3A_236 : vector<16xi32>
      %and3A_238 = arith.constant 1 : i32
      %and3A_239 = vector.broadcast %and3A_238 : i32 to vector<16xi32>
      %and3A_240 = arith.andi %shift_right_arithmetic3A_237, %and3A_239 : vector<16xi32>
      %xor3A_241 = arith.xori %and3A_234, %and3A_240 : vector<16xi32>
      %eq3A_242 = arith.constant 0 : i32
      %eq3A_243 = vector.broadcast %eq3A_242 : i32 to vector<16xi32>
      %eq3A_244 = arith.cmpi eq, %xor3A_241, %eq3A_243 : vector<16xi32>
      %min3A_245 = arith.minsi %select_n3A_215, %gather3A_228 : vector<16xi32>
      %max3A_246 = arith.maxsi %select_n3A_215, %gather3A_228 : vector<16xi32>
      %select_n3A_247 = arith.select %eq3A_244, %min3A_245, %max3A_246 : vector<16xi1>, vector<16xi32>
      %xor3A_248 = arith.constant 8 : i32
      %xor3A_249 = vector.broadcast %xor3A_248 : i32 to vector<16xi32>
      %xor3A_250 = arith.xori %iota3A, %xor3A_249 : vector<16xi32>
      %lt3A_251 = arith.constant 0 : i32
      %lt3A_252 = vector.broadcast %lt3A_251 : i32 to vector<16xi32>
      %lt3A_253 = arith.cmpi slt, %xor3A_250, %lt3A_252 : vector<16xi32>
      %add3A_254 = arith.constant 16 : i32
      %add3A_255 = vector.broadcast %add3A_254 : i32 to vector<16xi32>
      %add3A_256 = arith.addi %xor3A_250, %add3A_255 : vector<16xi32>
      %select_n3A_257 = arith.select %lt3A_253, %add3A_256, %xor3A_250 : vector<16xi1>, vector<16xi32>
      %broadcast_in_dim3A_258 = vector.shape_cast %select_n3A_257 : vector<16xi32> to vector<16x1xi32>
      %gather3A_259 = vector.shape_cast %broadcast_in_dim3A_258 : vector<16x1xi32> to vector<16xi32>
      %gather3A_260 = tpu.dynamic_gather %select_n3A_247[%gather3A_259] in [0] : vector<16xi32>, vector<16xi32> -> vector<16xi32>
      %shift_right_arithmetic3A_261 = arith.constant 3 : i32
      %shift_right_arithmetic3A_262 = vector.broadcast %shift_right_arithmetic3A_261 : i32 to vector<16xi32>
      %shift_right_arithmetic3A_263 = arith.shrsi %iota3A, %shift_right_arithmetic3A_262 : vector<16xi32>
      %and3A_264 = arith.constant 1 : i32
      %and3A_265 = vector.broadcast %and3A_264 : i32 to vector<16xi32>
      %and3A_266 = arith.andi %shift_right_arithmetic3A_263, %and3A_265 : vector<16xi32>
      %shift_right_arithmetic3A_267 = arith.constant 4 : i32
      %shift_right_arithmetic3A_268 = vector.broadcast %shift_right_arithmetic3A_267 : i32 to vector<16xi32>
      %shift_right_arithmetic3A_269 = arith.shrsi %iota3A, %shift_right_arithmetic3A_268 : vector<16xi32>
      %and3A_270 = arith.constant 1 : i32
      %and3A_271 = vector.broadcast %and3A_270 : i32 to vector<16xi32>
      %and3A_272 = arith.andi %shift_right_arithmetic3A_269, %and3A_271 : vector<16xi32>
      %xor3A_273 = arith.xori %and3A_266, %and3A_272 : vector<16xi32>
      %eq3A_274 = arith.constant 0 : i32
      %eq3A_275 = vector.broadcast %eq3A_274 : i32 to vector<16xi32>
      %eq3A_276 = arith.cmpi eq, %xor3A_273, %eq3A_275 : vector<16xi32>
      %min3A_277 = arith.minsi %select_n3A_247, %gather3A_260 : vector<16xi32>
      %max3A_278 = arith.maxsi %select_n3A_247, %gather3A_260 : vector<16xi32>
      %select_n3A_279 = arith.select %eq3A_276, %min3A_277, %max3A_278 : vector<16xi1>, vector<16xi32>
      %xor3A_280 = arith.constant 4 : i32
      %xor3A_281 = vector.broadcast %xor3A_280 : i32 to vector<16xi32>
      %xor3A_282 = arith.xori %iota3A, %xor3A_281 : vector<16xi32>
      %lt3A_283 = arith.constant 0 : i32
      %lt3A_284 = vector.broadcast %lt3A_283 : i32 to vector<16xi32>
      %lt3A_285 = arith.cmpi slt, %xor3A_282, %lt3A_284 : vector<16xi32>
      %add3A_286 = arith.constant 16 : i32
      %add3A_287 = vector.broadcast %add3A_286 : i32 to vector<16xi32>
      %add3A_288 = arith.addi %xor3A_282, %add3A_287 : vector<16xi32>
      %select_n3A_289 = arith.select %lt3A_285, %add3A_288, %xor3A_282 : vector<16xi1>, vector<16xi32>
      %broadcast_in_dim3A_290 = vector.shape_cast %select_n3A_289 : vector<16xi32> to vector<16x1xi32>
      %gather3A_291 = vector.shape_cast %broadcast_in_dim3A_290 : vector<16x1xi32> to vector<16xi32>
      %gather3A_292 = tpu.dynamic_gather %select_n3A_279[%gather3A_291] in [0] : vector<16xi32>, vector<16xi32> -> vector<16xi32>
      %shift_right_arithmetic3A_293 = arith.constant 2 : i32
      %shift_right_arithmetic3A_294 = vector.broadcast %shift_right_arithmetic3A_293 : i32 to vector<16xi32>
      %shift_right_arithmetic3A_295 = arith.shrsi %iota3A, %shift_right_arithmetic3A_294 : vector<16xi32>
      %and3A_296 = arith.constant 1 : i32
      %and3A_297 = vector.broadcast %and3A_296 : i32 to vector<16xi32>
      %and3A_298 = arith.andi %shift_right_arithmetic3A_295, %and3A_297 : vector<16xi32>
      %shift_right_arithmetic3A_299 = arith.constant 4 : i32
      %shift_right_arithmetic3A_300 = vector.broadcast %shift_right_arithmetic3A_299 : i32 to vector<16xi32>
      %shift_right_arithmetic3A_301 = arith.shrsi %iota3A, %shift_right_arithmetic3A_300 : vector<16xi32>
      %and3A_302 = arith.constant 1 : i32
      %and3A_303 = vector.broadcast %and3A_302 : i32 to vector<16xi32>
      %and3A_304 = arith.andi %shift_right_arithmetic3A_301, %and3A_303 : vector<16xi32>
      %xor3A_305 = arith.xori %and3A_298, %and3A_304 : vector<16xi32>
      %eq3A_306 = arith.constant 0 : i32
      %eq3A_307 = vector.broadcast %eq3A_306 : i32 to vector<16xi32>
      %eq3A_308 = arith.cmpi eq, %xor3A_305, %eq3A_307 : vector<16xi32>
      %min3A_309 = arith.minsi %select_n3A_279, %gather3A_292 : vector<16xi32>
      %max3A_310 = arith.maxsi %select_n3A_279, %gather3A_292 : vector<16xi32>
      %select_n3A_311 = arith.select %eq3A_308, %min3A_309, %max3A_310 : vector<16xi1>, vector<16xi32>
      %xor3A_312 = arith.constant 2 : i32
      %xor3A_313 = vector.broadcast %xor3A_312 : i32 to vector<16xi32>
      %xor3A_314 = arith.xori %iota3A, %xor3A_313 : vector<16xi32>
      %lt3A_315 = arith.constant 0 : i32
      %lt3A_316 = vector.broadcast %lt3A_315 : i32 to vector<16xi32>
      %lt3A_317 = arith.cmpi slt, %xor3A_314, %lt3A_316 : vector<16xi32>
      %add3A_318 = arith.constant 16 : i32
      %add3A_319 = vector.broadcast %add3A_318 : i32 to vector<16xi32>
      %add3A_320 = arith.addi %xor3A_314, %add3A_319 : vector<16xi32>
      %select_n3A_321 = arith.select %lt3A_317, %add3A_320, %xor3A_314 : vector<16xi1>, vector<16xi32>
      %broadcast_in_dim3A_322 = vector.shape_cast %select_n3A_321 : vector<16xi32> to vector<16x1xi32>
      %gather3A_323 = vector.shape_cast %broadcast_in_dim3A_322 : vector<16x1xi32> to vector<16xi32>
      %gather3A_324 = tpu.dynamic_gather %select_n3A_311[%gather3A_323] in [0] : vector<16xi32>, vector<16xi32> -> vector<16xi32>
      %shift_right_arithmetic3A_325 = arith.constant 1 : i32
      %shift_right_arithmetic3A_326 = vector.broadcast %shift_right_arithmetic3A_325 : i32 to vector<16xi32>
      %shift_right_arithmetic3A_327 = arith.shrsi %iota3A, %shift_right_arithmetic3A_326 : vector<16xi32>
      %and3A_328 = arith.constant 1 : i32
      %and3A_329 = vector.broadcast %and3A_328 : i32 to vector<16xi32>
      %and3A_330 = arith.andi %shift_right_arithmetic3A_327, %and3A_329 : vector<16xi32>
      %shift_right_arithmetic3A_331 = arith.constant 4 : i32
      %shift_right_arithmetic3A_332 = vector.broadcast %shift_right_arithmetic3A_331 : i32 to vector<16xi32>
      %shift_right_arithmetic3A_333 = arith.shrsi %iota3A, %shift_right_arithmetic3A_332 : vector<16xi32>
      %and3A_334 = arith.constant 1 : i32
      %and3A_335 = vector.broadcast %and3A_334 : i32 to vector<16xi32>
      %and3A_336 = arith.andi %shift_right_arithmetic3A_333, %and3A_335 : vector<16xi32>
      %xor3A_337 = arith.xori %and3A_330, %and3A_336 : vector<16xi32>
      %eq3A_338 = arith.constant 0 : i32
      %eq3A_339 = vector.broadcast %eq3A_338 : i32 to vector<16xi32>
      %eq3A_340 = arith.cmpi eq, %xor3A_337, %eq3A_339 : vector<16xi32>
      %min3A_341 = arith.minsi %select_n3A_311, %gather3A_324 : vector<16xi32>
      %max3A_342 = arith.maxsi %select_n3A_311, %gather3A_324 : vector<16xi32>
      %select_n3A_343 = arith.select %eq3A_340, %min3A_341, %max3A_342 : vector<16xi1>, vector<16xi32>
      %xor3A_344 = arith.constant 1 : i32
      %xor3A_345 = vector.broadcast %xor3A_344 : i32 to vector<16xi32>
      %xor3A_346 = arith.xori %iota3A, %xor3A_345 : vector<16xi32>
      %lt3A_347 = arith.constant 0 : i32
      %lt3A_348 = vector.broadcast %lt3A_347 : i32 to vector<16xi32>
      %lt3A_349 = arith.cmpi slt, %xor3A_346, %lt3A_348 : vector<16xi32>
      %add3A_350 = arith.constant 16 : i32
      %add3A_351 = vector.broadcast %add3A_350 : i32 to vector<16xi32>
      %add3A_352 = arith.addi %xor3A_346, %add3A_351 : vector<16xi32>
      %select_n3A_353 = arith.select %lt3A_349, %add3A_352, %xor3A_346 : vector<16xi1>, vector<16xi32>
      %broadcast_in_dim3A_354 = vector.shape_cast %select_n3A_353 : vector<16xi32> to vector<16x1xi32>
      %gather3A_355 = vector.shape_cast %broadcast_in_dim3A_354 : vector<16x1xi32> to vector<16xi32>
      %gather3A_356 = tpu.dynamic_gather %select_n3A_343[%gather3A_355] in [0] : vector<16xi32>, vector<16xi32> -> vector<16xi32>
      %shift_right_arithmetic3A_357 = arith.constant 0 : i32
      %shift_right_arithmetic3A_358 = vector.broadcast %shift_right_arithmetic3A_357 : i32 to vector<16xi32>
      %shift_right_arithmetic3A_359 = arith.shrsi %iota3A, %shift_right_arithmetic3A_358 : vector<16xi32>
      %and3A_360 = arith.constant 1 : i32
      %and3A_361 = vector.broadcast %and3A_360 : i32 to vector<16xi32>
      %and3A_362 = arith.andi %shift_right_arithmetic3A_359, %and3A_361 : vector<16xi32>
      %shift_right_arithmetic3A_363 = arith.constant 4 : i32
      %shift_right_arithmetic3A_364 = vector.broadcast %shift_right_arithmetic3A_363 : i32 to vector<16xi32>
      %shift_right_arithmetic3A_365 = arith.shrsi %iota3A, %shift_right_arithmetic3A_364 : vector<16xi32>
      %and3A_366 = arith.constant 1 : i32
      %and3A_367 = vector.broadcast %and3A_366 : i32 to vector<16xi32>
      %and3A_368 = arith.andi %shift_right_arithmetic3A_365, %and3A_367 : vector<16xi32>
      %xor3A_369 = arith.xori %and3A_362, %and3A_368 : vector<16xi32>
      %eq3A_370 = arith.constant 0 : i32
      %eq3A_371 = vector.broadcast %eq3A_370 : i32 to vector<16xi32>
      %eq3A_372 = arith.cmpi eq, %xor3A_369, %eq3A_371 : vector<16xi32>
      %min3A_373 = arith.minsi %select_n3A_343, %gather3A_356 : vector<16xi32>
      %max3A_374 = arith.maxsi %select_n3A_343, %gather3A_356 : vector<16xi32>
      %select_n3A_375 = arith.select %eq3A_372, %min3A_373, %max3A_374 : vector<16xi1>, vector<16xi32>
      %and3A_376 = arith.constant 65535 : i32
      %and3A_377 = vector.broadcast %and3A_376 : i32 to vector<16xi32>
      %and3A_378 = arith.andi %select_n3A_375, %and3A_377 : vector<16xi32>
      %sub3A_379 = arith.constant 1 : i32
      %sub3A_380 = vector.broadcast %sub3A_379 : i32 to vector<16xi32>
      %sub3A_381 = arith.subi %iota3A, %sub3A_380 : vector<16xi32>
      %max3A_382 = arith.constant 0 : i32
      %max3A_383 = vector.broadcast %max3A_382 : i32 to vector<16xi32>
      %max3A_384 = arith.maxsi %sub3A_381, %max3A_383 : vector<16xi32>
      %lt3A_385 = arith.constant 0 : i32
      %lt3A_386 = vector.broadcast %lt3A_385 : i32 to vector<16xi32>
      %lt3A_387 = arith.cmpi slt, %max3A_384, %lt3A_386 : vector<16xi32>
      %add3A_388 = arith.constant 16 : i32
      %add3A_389 = vector.broadcast %add3A_388 : i32 to vector<16xi32>
      %add3A_390 = arith.addi %max3A_384, %add3A_389 : vector<16xi32>
      %select_n3A_391 = arith.select %lt3A_387, %add3A_390, %max3A_384 : vector<16xi1>, vector<16xi32>
      %broadcast_in_dim3A_392 = vector.shape_cast %select_n3A_391 : vector<16xi32> to vector<16x1xi32>
      %gather3A_393 = vector.shape_cast %broadcast_in_dim3A_392 : vector<16x1xi32> to vector<16xi32>
      %gather3A_394 = tpu.dynamic_gather %get3A_54[%gather3A_393] in [0] : vector<16xi32>, vector<16xi32> -> vector<16xi32>
      %ge3A = arith.constant 1 : i32
      %ge3A_395 = vector.broadcast %ge3A : i32 to vector<16xi32>
      %ge3A_396 = arith.cmpi sge, %iota3A, %ge3A_395 : vector<16xi32>
      %jit3A_397 = arith.constant 0 : i32
      %broadcast_in_dim3A_398 = vector.broadcast %jit3A_397 : i32 to vector<16xi32>
      %select_n3A_399 = arith.select %ge3A_396, %gather3A_394, %broadcast_in_dim3A_398 : vector<16xi1>, vector<16xi32>
      %add3A_400 = arith.addi %get3A_54, %select_n3A_399 : vector<16xi32>
      %sub3A_401 = arith.constant 2 : i32
      %sub3A_402 = vector.broadcast %sub3A_401 : i32 to vector<16xi32>
      %sub3A_403 = arith.subi %iota3A, %sub3A_402 : vector<16xi32>
      %max3A_404 = arith.constant 0 : i32
      %max3A_405 = vector.broadcast %max3A_404 : i32 to vector<16xi32>
      %max3A_406 = arith.maxsi %sub3A_403, %max3A_405 : vector<16xi32>
      %lt3A_407 = arith.constant 0 : i32
      %lt3A_408 = vector.broadcast %lt3A_407 : i32 to vector<16xi32>
      %lt3A_409 = arith.cmpi slt, %max3A_406, %lt3A_408 : vector<16xi32>
      %add3A_410 = arith.constant 16 : i32
      %add3A_411 = vector.broadcast %add3A_410 : i32 to vector<16xi32>
      %add3A_412 = arith.addi %max3A_406, %add3A_411 : vector<16xi32>
      %select_n3A_413 = arith.select %lt3A_409, %add3A_412, %max3A_406 : vector<16xi1>, vector<16xi32>
      %broadcast_in_dim3A_414 = vector.shape_cast %select_n3A_413 : vector<16xi32> to vector<16x1xi32>
      %gather3A_415 = vector.shape_cast %broadcast_in_dim3A_414 : vector<16x1xi32> to vector<16xi32>
      %gather3A_416 = tpu.dynamic_gather %add3A_400[%gather3A_415] in [0] : vector<16xi32>, vector<16xi32> -> vector<16xi32>
      %ge3A_417 = arith.constant 2 : i32
      %ge3A_418 = vector.broadcast %ge3A_417 : i32 to vector<16xi32>
      %ge3A_419 = arith.cmpi sge, %iota3A, %ge3A_418 : vector<16xi32>
      %jit3A_420 = arith.constant 0 : i32
      %broadcast_in_dim3A_421 = vector.broadcast %jit3A_420 : i32 to vector<16xi32>
      %select_n3A_422 = arith.select %ge3A_419, %gather3A_416, %broadcast_in_dim3A_421 : vector<16xi1>, vector<16xi32>
      %add3A_423 = arith.addi %add3A_400, %select_n3A_422 : vector<16xi32>
      %sub3A_424 = arith.constant 4 : i32
      %sub3A_425 = vector.broadcast %sub3A_424 : i32 to vector<16xi32>
      %sub3A_426 = arith.subi %iota3A, %sub3A_425 : vector<16xi32>
      %max3A_427 = arith.constant 0 : i32
      %max3A_428 = vector.broadcast %max3A_427 : i32 to vector<16xi32>
      %max3A_429 = arith.maxsi %sub3A_426, %max3A_428 : vector<16xi32>
      %lt3A_430 = arith.constant 0 : i32
      %lt3A_431 = vector.broadcast %lt3A_430 : i32 to vector<16xi32>
      %lt3A_432 = arith.cmpi slt, %max3A_429, %lt3A_431 : vector<16xi32>
      %add3A_433 = arith.constant 16 : i32
      %add3A_434 = vector.broadcast %add3A_433 : i32 to vector<16xi32>
      %add3A_435 = arith.addi %max3A_429, %add3A_434 : vector<16xi32>
      %select_n3A_436 = arith.select %lt3A_432, %add3A_435, %max3A_429 : vector<16xi1>, vector<16xi32>
      %broadcast_in_dim3A_437 = vector.shape_cast %select_n3A_436 : vector<16xi32> to vector<16x1xi32>
      %gather3A_438 = vector.shape_cast %broadcast_in_dim3A_437 : vector<16x1xi32> to vector<16xi32>
      %gather3A_439 = tpu.dynamic_gather %add3A_423[%gather3A_438] in [0] : vector<16xi32>, vector<16xi32> -> vector<16xi32>
      %ge3A_440 = arith.constant 4 : i32
      %ge3A_441 = vector.broadcast %ge3A_440 : i32 to vector<16xi32>
      %ge3A_442 = arith.cmpi sge, %iota3A, %ge3A_441 : vector<16xi32>
      %jit3A_443 = arith.constant 0 : i32
      %broadcast_in_dim3A_444 = vector.broadcast %jit3A_443 : i32 to vector<16xi32>
      %select_n3A_445 = arith.select %ge3A_442, %gather3A_439, %broadcast_in_dim3A_444 : vector<16xi1>, vector<16xi32>
      %add3A_446 = arith.addi %add3A_423, %select_n3A_445 : vector<16xi32>
      %sub3A_447 = arith.constant 8 : i32
      %sub3A_448 = vector.broadcast %sub3A_447 : i32 to vector<16xi32>
      %sub3A_449 = arith.subi %iota3A, %sub3A_448 : vector<16xi32>
      %max3A_450 = arith.constant 0 : i32
      %max3A_451 = vector.broadcast %max3A_450 : i32 to vector<16xi32>
      %max3A_452 = arith.maxsi %sub3A_449, %max3A_451 : vector<16xi32>
      %lt3A_453 = arith.constant 0 : i32
      %lt3A_454 = vector.broadcast %lt3A_453 : i32 to vector<16xi32>
      %lt3A_455 = arith.cmpi slt, %max3A_452, %lt3A_454 : vector<16xi32>
      %add3A_456 = arith.constant 16 : i32
      %add3A_457 = vector.broadcast %add3A_456 : i32 to vector<16xi32>
      %add3A_458 = arith.addi %max3A_452, %add3A_457 : vector<16xi32>
      %select_n3A_459 = arith.select %lt3A_455, %add3A_458, %max3A_452 : vector<16xi1>, vector<16xi32>
      %broadcast_in_dim3A_460 = vector.shape_cast %select_n3A_459 : vector<16xi32> to vector<16x1xi32>
      %gather3A_461 = vector.shape_cast %broadcast_in_dim3A_460 : vector<16x1xi32> to vector<16xi32>
      %gather3A_462 = tpu.dynamic_gather %add3A_446[%gather3A_461] in [0] : vector<16xi32>, vector<16xi32> -> vector<16xi32>
      %ge3A_463 = arith.constant 8 : i32
      %ge3A_464 = vector.broadcast %ge3A_463 : i32 to vector<16xi32>
      %ge3A_465 = arith.cmpi sge, %iota3A, %ge3A_464 : vector<16xi32>
      %jit3A_466 = arith.constant 0 : i32
      %broadcast_in_dim3A_467 = vector.broadcast %jit3A_466 : i32 to vector<16xi32>
      %select_n3A_468 = arith.select %ge3A_465, %gather3A_462, %broadcast_in_dim3A_467 : vector<16xi1>, vector<16xi32>
      %add3A_469 = arith.addi %add3A_446, %select_n3A_468 : vector<16xi32>
      %slice3A = vector.extract_strided_slice %add3A_469 {offsets = [15], sizes = [1], strides = [1]} : vector<16xi32> to vector<1xi32>
      %squeeze3A = vector.extract %slice3A[0] : i32 from vector<1xi32>
      %dma_start3A_470 = arith.constant 0 : i32
      %dma_start3A_471 = arith.constant 0 : i32
      %dma_start3A_472 = tpu.memref_slice %arg6[%squeeze3A, %dma_start3A_470, %dma_start3A_471] : memref<32x1x1024xf32, #tpu.memory_space<vmem>> -> memref<16x1x1024xf32, #tpu.memory_space<vmem>>
      %dma_start3A_473 = tpu.memref_squeeze %dma_start3A_472 : memref<16x1x1024xf32, #tpu.memory_space<vmem>> -> memref<16x1024xf32, #tpu.memory_space<vmem>>
      %dma_start3A_474 = arith.constant 0 : i32
      %dma_start3A_475 = arith.constant 0 : i32
      %dma_start3A_476 = tpu.memref_slice %arg4[%dma_start3A_474, %dma_start3A_475] : memref<32768x1024xf32, #tpu.memory_space<hbm>> -> memref<32768x1024xf32, #tpu.memory_space<hbm>>
      tpu.enqueue_indirect_dma source(%dma_start3A_473 : memref<16x1024xf32, #tpu.memory_space<vmem>>) target(%dma_start3A_476 : memref<32768x1024xf32, #tpu.memory_space<hbm>>) offsets(%and3A_378 : vector<16xi32>) semaphore(%arg7 : memref<!tpu.dma_semaphore, #tpu.memory_space<semaphore_mem>>)
    }
    %scan3A_45 = arith.constant 64 : i32
    %dma_wait3A_46 = arith.constant 0 : i32
    %dma_wait3A_47 = tpu.memref_slice %arg4[%mul3A_2, %dma_wait3A_46] : memref<32768x1024xf32, #tpu.memory_space<hbm>> -> memref<1024x1024xf32, #tpu.memory_space<hbm>>
    %dma_wait3A_48 = arith.constant 0 : i32
    %dma_wait3A_49 = tpu.memref_slice %arg4[%mul3A_2, %dma_wait3A_48] : memref<32768x1024xf32, #tpu.memory_space<hbm>> -> memref<1024x1024xf32, #tpu.memory_space<hbm>>
    tpu.wait_dma2 semaphore(%arg7 : memref<!tpu.dma_semaphore, #tpu.memory_space<semaphore_mem>>) src(%dma_wait3A_49 : memref<1024x1024xf32, #tpu.memory_space<hbm>>) dst(%dma_wait3A_47 : memref<1024x1024xf32, #tpu.memory_space<hbm>>)
    return
  }
}

</mosaic_0001>

<sc_bundles>
// kernel: kernel.3.cloned.1.call-start
scs
__scs_entry_jumppad:
0x0: {  	(pc) =	sbr.rel $0x88, $3  }
0x1: {  	(tag) =	ssettag $0x0;
	lr =	simm.s32 $0x1  }
0x2: {  	[smem:$0x3F9F] =	sst lr;
	_ =	strace $0xD0000000  }
0x3: {  	_ = 	snop  }
0x4: {  	_ = 	snop  }
0x5: {  	_ = 	snop  }
0x6: {  	_ = 	snop  }
0x7: {  	_ = 	snop  }
__scs_overlays_trampoline_lowered:
0x8: {  	[smem:$0x3FAE] =	sst s0  }
0x9: {  	[smem:$0x3FAF] =	sst s1  }
0xa: {  	[smem:$0x3FB0] =	sst s2  }
0xb: {  	[smem:$0x3FB1] =	sst s3  }
0xc: {  	[smem:$0x3FB2] =	sst s4  }
0xd: {  	[smem:$0x3FB3] =	sst s5  }
0xe: {  	[smem:$0x3FB4] =	sst s6  }
0xf: {  	[smem:$0x3FB5] =	sst s7  }
0x10: {  	[smem:$0x3FB6] =	sst s8  }
0x11: {  	[smem:$0x3FB7] =	sst s9;
	s0 =	simm.s32 @!p0 $0x0  }
0x12: {  	s1 =	sld [smem:$0x3F9D];
	s0 =	simm.s32 @p0 $0x1  }
0x13: {  	[smem:$0x3FB8] =	sst s0;
	s0 =	simm.s32 @!p1 $0x0  }
0x14: {  	s2 =	sld [smem:$0x3F9C];
	s0 =	simm.s32 @p1 $0x1  }
0x15: {  	[smem:$0x3FB9] =	sst s0;
	s0 =	simm.s32 @!p2 $0x0  }
0x16: {  	s3 =	sld [smem:$0x3FDB];
	s0 =	simm.s32 @p2 $0x1  }
0x17: {  	s4 =	simm.s32 $0x1BF5;
	[smem:$0x3FBB] =	sst s0  }
0x18: {  	s0 =	sld [smem:$0x3F9E];
	_ =	swait.ge [sflag:s4], $0x0  }
0x19: {  	s7 =	sld [smem:$0x3F9F]  }
0x1a: {  	s8 =	sadd.s32 $0xFFFFE003, lr  }
0x1b: {  	s9 =	sadd.s32 $0xFFFFFEF7, lr;
	s5 =	simm.s32 $0xFFFFFFFF;
	p2 =	slt.u32 s8, $0xFFFFF086  }
0x1c: {  	p1 =	slt.u32 s9, $0xF7A;
	s5 =	simm.s32 @!p2 $0x0  }
0x1d: {  	s5 =	simm.s32 @p1 $0x1;
	p0 =	seq.s32 s7, s2  }
0x1e: {  	s7 =	smul.u32 @!p0 $0xF7A, s2;
	p2 =	seq.s32 @!p0 s5, $0x0  }
0x1f: {  	s9 =	smul.u32 $0xF7A, s1;
	s8 =	simm.s32 @!p0 $0x1BF5;
	p2 =	por !p2, p0  }
0x20: {  	[sflag:s8] =	ssyncset.s32 @!p0 $0xFFFFF086;
	s6 =	sadd.s32 @!p0 s3, s7;
	s7 =	simm.s32 @!p0 $0x108  }
0x21: {  	s3 =	sadd.s32 s3, s9;
	s6 =	sadd.s32 @!p0 $0x88, s6;
	s7 =	simm.s32 @p2 $0x1082  }
0x22: {  	[simem:s7], [sflag:s8] =	dma.local @!p0 [hbm:s6], $0xF7A  }
0x23: {  	s9 =	sor.u32 $0xD0000000, s2;
	s6 =	simm.s32 $0x108;
	_ =	swait.ge @!p0 [sflag:s8], $0x0  }
0x24: {  	s3 =	sadd.s32 $0x88, s3;
	s6 =	simm.s32 @!p1 $0x1082;
	[sflag:s4] =	ssyncset.s32 $0xFFFFF086  }
0x25: {  	[simem:s6], [sflag:s4] =	dma.local [hbm:s3], $0xF7A  }
0x26: {  	[smem:$0x3F9F] =	sst s1;
	(tag) =	ssettag s2;
	_ =	strace s9  }
0x27: {  	s1 =	sld [smem:$0x3FAF]  }
0x28: {  	s2 =	sld [smem:$0x3FB0]  }
0x29: {  	s4 =	sld [smem:$0x3FB2]  }
0x2a: {  	p0 =	seq.s32 s5, $0x0;
	s5 =	sld [smem:$0x3FB3]  }
0x2b: {  	s6 =	sld [smem:$0x3FB4]  }
0x2c: {  	s7 =	sld [smem:$0x3FB5]  }
0x2d: {  	s3 =	simm.s32 $0x108;
	s8 =	sld [smem:$0x3FB6]  }
0x2e: {  	s3 =	simm.s32 @!p0 $0x1082;
	s9 =	sld [smem:$0x3FB7]  }
0x2f: {  	lr =	sadd.s32 s0, s3;
	s0 =	sld [smem:$0x3FAE]  }
0x30: {  	s3 =	sld [smem:$0x3FB1]  }
0x31: {  	[smem:$0x3FBA] =	sst s10  }
0x32: {  	s10 =	sld [smem:$0x3FB8];
	_ =	sdelay $0x3  }
0x33: {  	p0 =	seq.s32 s10, $0x1;
	s10 =	sld [smem:$0x3FBA];
	_ =	sdelay $0x3  }
0x34: {  	[smem:$0x3FBA] =	sst s10  }
0x35: {  	s10 =	sld [smem:$0x3FB9];
	_ =	sdelay $0x3  }
0x36: {  	p1 =	seq.s32 s10, $0x1;
	s10 =	sld [smem:$0x3FBA];
	_ =	sdelay $0x3  }
0x37: {  	[smem:$0x3FBA] =	sst s10  }
0x38: {  	s10 =	sld [smem:$0x3FBB]  }
0x39: {  	_ = 	snop;
	(pc) =	sbr.ind lr, $3  }
0x3a: {  	_ = 	snop  }
0x3b: {  	_ = 	snop  }
0x3c: {  	p2 =	seq.s32 s10, $0x1;
	s10 =	sld [smem:$0x3FBA]  }
0x3d: {  	_ =	shalt  }
0x3e: {  	_ =	shalt  }
0x3f: {  	_ =	shalt  }
0x40: {  	_ =	shalt  }
0x41: {  	_ =	shalt  }
0x42: {  	_ =	shalt  }
0x43: {  	_ =	shalt  }
0x44: {  	_ =	shalt  }
0x45: {  	_ =	shalt  }
0x46: {  	_ =	shalt  }
0x47: {  	_ =	shalt  }
0x48: {  	_ =	shalt  }
0x49: {  	_ =	shalt  }
0x4a: {  	_ =	shalt  }
0x4b: {  	_ =	shalt  }
0x4c: {  	_ =	shalt  }
0x4d: {  	_ =	shalt  }
0x4e: {  	_ =	shalt  }
0x4f: {  	_ =	shalt  }
0x50: {  	_ =	shalt  }
0x51: {  	_ =	shalt  }
0x52: {  	_ =	shalt  }
0x53: {  	_ =	shalt  }
0x54: {  	_ =	shalt  }
0x55: {  	_ =	shalt  }
0x56: {  	_ =	shalt  }
0x57: {  	_ =	shalt  }
0x58: {  	_ =	shalt  }
0x59: {  	_ =	shalt  }
0x5a: {  	_ =	shalt  }
0x5b: {  	_ =	shalt  }
0x5c: {  	_ =	shalt  }
0x5d: {  	_ =	shalt  }
0x5e: {  	_ =	shalt  }
0x5f: {  	_ =	shalt  }
0x60: {  	_ =	shalt  }
0x61: {  	_ =	shalt  }
0x62: {  	_ =	shalt  }
0x63: {  	_ =	shalt  }
0x64: {  	_ =	shalt  }
0x65: {  	_ =	shalt  }
0x66: {  	_ =	shalt  }
0x67: {  	_ =	shalt  }
0x68: {  	_ =	shalt  }
0x69: {  	_ =	shalt  }
0x6a: {  	_ =	shalt  }
0x6b: {  	_ =	shalt  }
0x6c: {  	_ =	shalt  }
0x6d: {  	_ =	shalt  }
0x6e: {  	_ =	shalt  }
0x6f: {  	_ =	shalt  }
0x70: {  	_ =	shalt  }
0x71: {  	_ =	shalt  }
0x72: {  	_ =	shalt  }
0x73: {  	_ =	shalt  }
0x74: {  	_ =	shalt  }
0x75: {  	_ =	shalt  }
0x76: {  	_ =	shalt  }
0x77: {  	_ =	shalt  }
0x78: {  	_ =	shalt  }
0x79: {  	_ =	shalt  }
0x7a: {  	_ =	shalt  }
0x7b: {  	_ =	shalt  }
0x7c: {  	_ =	shalt  }
0x7d: {  	_ =	shalt  }
0x7e: {  	_ =	shalt  }
0x7f: {  	_ =	shalt  }
0x80: {  	_ =	shalt  }
0x81: {  	_ =	shalt  }
0x82: {  	_ =	shalt  }
0x83: {  	_ =	shalt  }
0x84: {  	_ =	shalt  }
0x85: {  	_ =	shalt  }
0x86: {  	_ =	shalt  }
0x87: {  	_ =	shalt  }
.Lfunc_end0:
.L_simem_size_0:
called_computation_lowered:
.L_overlay_start_0:
0x88: {  	s2 =	sld [smem:$0x3FD9]  }
0x89: {  	s3 =	sld [smem:$0x3FFE];
	_ =	sdelay $0x1  }
0x8a: {  	s1 =	srdreg.scid  }
0x8b: {  	s0 =	sand.u32 $0x1, s1  }
0x8c: {  	s17 =	sshll.u32 s0, $0xA;
	s2 =	sadd.s32 s3, s2  }
0x8d: {  	s2 =	sadd.s32 s2, s17  }
0x8e: {  	[smem:$0x3FC6] =	sst s2  }
0x8f: {  	_ = 	snop  }
0x90: {  	s2 =	sld [smem:$0x3FC9]  }
0x91: {  	s18 =	sld [smem:$0x3FD0];
	(tm) =	ssettm $0x1  }
0x92: {  	s4 =	sld [smem:$0x3FFB];
	_ =	sdelay $0x3  }
0x93: {  	_ =	strace s4  }
0x94: {  	s4 =	sld [smem:$0x3FFC];
	_ =	sdelay $0x3  }
0x95: {  	_ =	strace s4  }
0x96: {  	s4 =	sld [smem:$0x3FFD];
	_ =	sdelay $0x3  }
0x97: {  	_ =	strace s4  }
0x98: {  	_ =	strace $0x8FFFFFFF  }
0x99: {  	s19 =	sld [smem:$0x3FDB];
	_ =	sdelay $0x1  }
0x9a: {  	s5 =	simm.s32 $_scs_section_size  }
0x9b: {  	s6 =	simm.s32 $_size__tile_overlayer_lowered;
	s7 =	simm.s32 $_tile_overlayer_lowered  }
0x9c: {  	s22 =	simm.s32 $0x1BFF;
	s21 =	sshll.u32 s7, $0x1;
	s4 =	sadd.s32 s5, s19  }
0x9d: {  	s8 =	simm.s32 $0x0;
	s20 =	sshll.u32 s6, $0x1;
	s6 =	sadd.s32 s21, s4  }
0x9e: {  	[timem:s8], [sflag:s22] =	dma.local [hbm:s6], s20  }
0x9f: {  	_ =	swait.ge [sflag:s22], s20  }
0xa0: {  	s5 =	ssub.s32 $0x0, s20;
	[sflag:s22] =	ssyncset.done $0x0  }
0xa1: {  	[sflag:s22] =	ssyncadd.s32 s5;
	_ =	sdelay $0x1  }
0xa2: {  	s23 =	simm.s32 $0x1B8B  }
0xa3: {  	_ =	swait.ge [sflag:s23], $0x1  }
0xa4: {  	[sflag:s23] =	ssyncset.done $0x0  }
0xa5: {  	s25 =	simm.s32 $0x1B8E;
	s24 =	sld [smem:$0x3FFE];
	[sflag:s23] =	ssyncadd.s32 $0xFFFFFFFF  }
0xa6: {  	s26 =	simm.s32 $execute0_lowered;
	[smem:$0x3FD2] =	sst s25  }
0xa7: {  	s6 =	sshll.u32 s26, $0x1;
	_ =	strace $0x80000046;
	[dreg:$0x1] =	wrdreg $0xFFFFFFFF  }
0xa8: {  	s28 =	simm.s32 $_size_execute0_lowered;
	s4 =	sadd.s32 s4, s6;
	[dreg:$0x0] =	wrdreg $0x0  }
0xa9: {  	s6 =	sshll.u32 s28, $0x1;
	[dreg:$0x2] =	wrdreg s4  }
0xaa: {  	[dreg:$0x3] =	wrdreg s6  }
0xab: {  	[dreg:$0x4] =	wrdreg $0xC0  }
0xac: {  	_ =	task [dreg:s8], $0x5FFFF  }
0xad: {  	[dreg:$0x1] =	wrdreg $0xFFFFFFFF  }
0xae: {  	[dreg:$0x0] =	wrdreg $0x60  }
0xaf: {  	[dreg:$0x2] =	wrdreg s2  }
0xb0: {  	[dreg:$0x3] =	wrdreg s24  }
0xb1: {  	[dreg:$0x4] =	wrdreg s18  }
0xb2: {  	[dreg:$0x5] =	wrdreg $0x9  }
0xb3: {  	_ =	task.clear_ibuf [dreg:s8], $0x6FFFF;
	_ =	strace $0x90000046  }
0xb4: {  	s29 =	simm.s32 $0x9;
	_ =	strace $0x80000048  }
0xb5: {  	_ =	swait.ge [sflag:s29], $0x1  }
0xb6: {  	[sflag:s29] =	ssyncadd.s32 $0xFFFFFFFF  }
0xb7: {  	_ =	strace $0x90000048  }
0xb8: {  	_ =	sfence  }
0xb9: {  	s30 =	sld [smem:$0x0];
	_ =	sdelay $0x2  }
0xba: {  	s31 =	sshll.u32 s1, $0xD;
	s1 =	sshrl.u32 s1, $0x2  }
0xbb: {  	s3 =	sand.u32 $0x4000, s31;
	s1 =	sadd.s32 s1, s30  }
0xbc: {  	s0 =	sor.u32 s3, s0;
	s1 =	sshll.u32 s1, $0x11  }
0xbd: {  	s0 =	sor.u32 s1, s0  }
0xbe: {  	s0 =	sadd.s32 $0x8F2B, s0  }
0xbf: {  	[sflag:s0] =	ssyncadd.remote.s32 $0x1  }
0xc0: {  	_ =	sfence.sel $0xFFFF  }
0xc1: {  	[dreg:$0x0] =	wrdreg $0xFFFFFFFF;
	(pc) =	sbr.abs _section_cstart, $3  }
0xc2: {  	[dreg:$0x1] =	wrdreg $0xFFFFFFFF  }
0xc3: {  	_ =	task.clear_ibuf [dreg:s8], $0x2FFFF;
	_ =	strace $0x9FFFFFFF  }
0xc4: {  	(tm) =	ssettm $0x7FFFFFFF  }
0xc5: {  	_ =	shalt  }
tec
execute0_lowered:
.L_overlay_start_1:
0x0: {  	(tag) =	ssettag $0x1  }
0x1: {  	v0 =	vimm.s32 $0xEFCDAB89  }
0x2: {  	v1 =	vimm.s32 $0x67452301;
	vm0 =	vcmask $0x130C;
	vm1 =	vcmask $0x33C  }
0x3: {  	v2 =	vimm.s32 $0xDCFE98BA;
	v3 =	vimm.s32 $0x54761032;
	vm2 =	vcmask $0x231C  }
0x4: {  	vm3 =	vcmask $0x332C;
	v4 =	vimm.s32 $0x32107654;
	vm7 =	vcmask $0xB08  }
0x5: {  	vm5 =	vcmask $0x738;
	vm8 =	vcmask $0x2B28;
	vm6 =	vcmask $0x3734  }
0x6: {  	vm9 =	vcmask $0x1710;
	vm10 =	vcmask $0x2F28;
	vm11 =	vcmask $0x1310  }
0x7: {  	v5 =	vimm.s32 $0x76543210;
	vm12 =	vcmask $0x1B18;
	vm13 =	vcmask $0x2724  }
0x8: {  	vm14 =	vcmask $0x2F2C;
	v6 =	vimm.s32 $0xEDCBA987;
	v7 =	vimm.s32 $0xDCBA9876  }
0x9: {  	v8 =	vimm.s32 $0x54321000;
	v9 =	vimm.s32 $0xBA987654;
	v10 =	vimm.s32 $0xE40000  }
0xa: {  	v11 =	vimm.s32 $0x32100000;
	v13 =	vimm.s32 $0x1;
	v14 =	vimm.s32 $0x2  }
0xb: {  	v15 =	vimm.s32 $0x4;
	v16 =	vimm.s32 $0x5;
	v17 =	vimm.s32 $0x6  }
0xc: {  	v18 =	vimm.s32 $0x8;
	v19 =	vimm.s32 $0x9;
	v20 =	vimm.s32 $0xA  }
0xd: {  	v21 =	vimm.s32 $0xB;
	v22 =	vimm.s32 $0xC;
	v23 =	vimm.s32 $0xD  }
0xe: {  	v24 =	vimm.s32 $0xE;
	v25 =	vimm.s32 $0xF;
	v0 =	vunpack.c.l.s4.s8 v0  }
0xf: {  	v1 =	vunpack.c.l.s4.s8 v1;
	vm0 =	vmor vm1, vm0;
	v2 =	vunpack.c.l.s4.s8 v2  }
0x10: {  	v3 =	vunpack.c.l.s4.s8 v3;
	v4 =	vunpack.c.l.s4.s8 v4;
	vm4 =	vmor vm1, vm7  }
0x11: {  	vm1 =	vcmask $0x1714;
	v5 =	vunpack.c.l.s4.s8 v5;
	v6 =	vunpack.c.l.s4.s8 v6  }
0x12: {  	v7 =	vunpack.c.l.s4.s8 v7;
	v8 =	vunpack.c.l.s4.s8 v8;
	v9 =	vunpack.c.l.s4.s8 v9  }
0x13: {  	v10 =	vunpack.c.l.s2.s4 v10;
	v11 =	vunpack.c.l.s4.s8 v11;
	vm0 =	vmor vm0, vm2  }
0x14: {  	vm1 =	vmor vm4, vm1;
	vm4 =	vmor vm4, vm11;
	v0 =	vunpack.c.0.s8.s32 v0  }
0x15: {  	v1 =	vunpack.c.0.s8.s32 v1;
	v2 =	vunpack.c.0.s8.s32 v2;
	v3 =	vunpack.c.0.s8.s32 v3  }
0x16: {  	vm0 =	vmor vm0, vm3;
	vm3 =	vcmask $0x2718;
	v4 =	vunpack.c.0.s8.s32 v4  }
0x17: {  	vm1 =	vmor vm1, vm2;
	vm4 =	vmor vm4, vm12;
	v5 =	vunpack.c.0.s8.s32 v5  }
0x18: {  	v6 =	vunpack.c.0.s8.s32 v6;
	v7 =	vunpack.c.0.s8.s32 v7;
	v8 =	vunpack.c.0.s8.s32 v8  }
0x19: {  	v9 =	vunpack.c.0.s8.s32 v9;
	v10 =	vunpack.c.l.s4.s8 v10;
	vm2 =	vmor vm1, vm8  }
0x1a: {  	vm1 =	vmor vm5, vm3;
	vm3 =	vcmask $0xF30;
	vm5 =	vmor vm5, vm9  }
0x1b: {  	vm13 =	vmor vm4, vm13;
	v2 =	vcombine.low v3, v2;
	v3 =	vimm.s32 $0xBA98FEDC  }
0x1c: {  	v1 =	vcombine.low v1, v0;
	v0 =	vlaneseq.u32;
	v3 =	vunpack.c.l.s4.s8 v3  }
0x1d: {  	vm2 =	vmor vm2, vm6;
	vm4 =	vmor vm5, vm10;
	vm5 =	vmor vm13, vm14  }
0x1e: {  	vm10 =	vcmask $0x300;
	vm13 =	vcmask $0x700;
	v3 =	vunpack.c.0.s8.s32 v3  }
0x1f: {  	vm14 =	vcmask $0x3330;
	v6 =	vand.u32 $0xF, v6;
	v7 =	vand.u32 $0xF, v7  }
0x20: {  	v10 =	vunpack.c.0.s8.s32 v10;
	v3 =	vcombine.low v4, v3;
	v4 =	vimm.s32 $0xFEDCBA98  }
0x21: {  	vm5 =	vmor vm5, vm6;
	vm6 =	vmmov $0xff;
	v4 =	vunpack.c.l.s4.s8 v4  }
0x22: {  	vm7 =	vmor vm10, vm7;
	vm10 =	vcmask $0x2F20;
	vm9 =	vmor vm13, vm9  }
0x23: {  	s5 =	rddreg [dreg:$0x0];
	vm13 =	vcmask $0xF00;
	v12 =	vmul.u32 $0x8, v0;
	v4 =	vunpack.c.0.s8.s32 v4  }
0x24: {  	s3 =	rddreg [dreg:$0x1];
	v1 =	vand.u32 $0xF, v1;
	v2 =	vand.u32 $0xF, v2;
	vm7 =	vmor vm7, vm11  }
0x25: {  	s1 =	rddreg [dreg:$0x2];
	vm11 =	vcmask $0x2720;
	vm7 =	vmor vm7, vm12;
	v4 =	vand.u32 $0xF, v4  }
0x26: {  	s0 =	rddreg [dreg:$0x3];
	s2 =	simm.s32 $0x0;
	vm12 =	vcmask $0x2320;
	v4 =	vcombine.low v4, v5;
	v5 =	vimm.s32 $0x65432100  }
0x27: {  	s6 =	srdreg.scid;
	s11 =	simm.s32 $0x2;
	s12 =	simm.s32 $0x1;
	vm9 =	vmor vm9, vm11;
	vm7 =	vmor vm7, vm12;
	v5 =	vunpack.c.l.s4.s8 v5  }
0x28: {  	s13 =	simm.s32 $0x0;
	[smem:$0x7FF] =	sst s2;
	s4 =	sadd.s32 $0x400, s3;
	vm11 =	vcmask $0x3730;
	vm12 =	vmor vm7, vm8;
	vm7 =	vmor vm13, vm10  }
0x29: {  	s3 =	stileid.u32;
	s6 =	sand.u32 $0x1, s6;
	_ =	strace $0x80000047;
	vm8 =	vmor vm9, vm11;
	vm10 =	vcmask $0x3B38;
	v5 =	vunpack.c.0.s8.s32 v5  }
0x2a: {  	s7 =	ssub.s32 $0x2, s6;
	s8 =	sshll.u32 s3, $0xA;
	s9 =	sshll.u32 s6, $0x9;
	vm11 =	vmmov $0xf;
	vm9 =	vmor vm12, vm14;
	vm12 =	vcmask $0x3F30  }
0x2b: {  	s29 =	sshll.u32 s3, $0x2;
	s30 =	sshll.u32 s3, $0xB;
	s31 =	sshll.u32 s6, $0xA;
	v5 =	vcombine.low v5, v6;
	v6 =	vcombine.low v8, v7;
	v7 =	vunpack.c.0.s8.s32 v11  }
0x2c: {  	s10 =	sshrl.u32 s7, $0x1;
	s8 =	sor.u32 s9, s8;
	s9 =	sand.u32 $0x30, s29;
	v3 =	vand.u32 $0xF, v3;
	v8 =	vand.u32 $0xF, v9;
	v9 =	vimm.s32 $0x7060504  }
0x2d: {  	s7 =	ssub.s32 s7, s10;
	s8 =	sand.u32 $0xE00, s8;
	s5 =	sadd.s32 s5, s9;
	vm9 =	vmor vm9, vm10;
	v7 =	vcombine.low v7, v8;
	v8 =	vunpack.c.0.s8.s32 v9  }
0x2e: {  	s9 =	simm.s32 $0x200;
	s10 =	simm.s32 $0x400;
	s5 =	sadd.s32 s8, s5;
	vm10 =	vmmov $0x3;
	v11 =	vimm.s32 $0x0;
	v9 =	vand.u32 $0x3, v10  }
0x2f: {  	s6 =	smax.u32 s7, $0x1;
	s7 =	sor.u32 s31, s30;
	s8 =	simm.s32 $0x80;
	v10 =	vimm.s32 $0x3;
	v8 =	vsel vm12, v8, v9;
	v9 =	vimm.s32 $0x7  }
.LBB2_1:
0x30: {  	[tilespmem:s2], [sflag:$0x1] =	stream.strided.gather [hbm4b:s5+s8], $0x400, s9, s8, $0x38;
	[tilespmem:$0x8400] =	vst v63  }
0x31: {  	_ = 	snop  }
0x32: {  	[tilespmem:s10], [sflag:$0x2] =	stream.linear.gather [hbm4b:s4+s2], $0x8000, $0x38;
	[tilespmem:$0x8400] =	vst v63  }
0x33: {  	_ =	swait.ge [sflag:s11], $0x8000  }
0x34: {  	[sflag:s11] =	ssyncset.done $0x0  }
0x35: {  	[sflag:s11] =	ssyncadd.s32 $0xFFFF8000  }
0x36: {  	_ =	swait.ge [sflag:s12], $0x400  }
0x37: {  	[sflag:s12] =	ssyncset.done $0x0  }
0x38: {  	s14 =	simm.s32 $0x0;
	[sflag:s12] =	ssyncadd.s32 $0xFFFFFC00  }
0x39: {  	v26 =	vld [tilespmem:s14+$0x0];
	_ =	sdelay $0x4  }
0x3a: {  	v27 =	vshll.u32 v26, $0x10  }
0x3b: {  	v27 =	vadd.s32 s7, v27  }
0x3c: {  	v27 =	vadd.s32 v0, v27  }
0x3d: {  	v28 =	vperm.xlane v27, v1;
	_ =	sdelay $0x1  }
0x3e: {  	vm12 =	vlt.s32 v27, v28  }
0x3f: {  	v29 =	vsel vm12, v27, v28;
	v27 =	vsel vm12, v28, v27  }
0x40: {  	v27 =	vsel vm0, v29, v27  }
0x41: {  	v40 =	vperm.xlane v27, v2;
	_ =	sdelay $0x1  }
0x42: {  	vm12 =	vlt.s32 v27, v40  }
0x43: {  	v29 =	vsel vm12, v27, v40;
	v27 =	vsel vm12, v40, v27  }
0x44: {  	v27 =	vsel vm1, v29, v27  }
0x45: {  	v41 =	vperm.xlane v27, v1;
	_ =	sdelay $0x1  }
0x46: {  	vm12 =	vlt.s32 v27, v41  }
0x47: {  	v29 =	vsel vm12, v27, v41;
	v27 =	vsel vm12, v41, v27  }
0x48: {  	v27 =	vsel vm2, v29, v27  }
0x49: {  	v42 =	vperm.xlane v27, v3;
	_ =	sdelay $0x1  }
0x4a: {  	vm12 =	vlt.s32 v27, v42  }
0x4b: {  	v29 =	vsel vm12, v27, v42;
	v27 =	vsel vm12, v42, v27  }
0x4c: {  	v27 =	vsel vm3, v29, v27  }
0x4d: {  	v43 =	vperm.xlane v27, v2;
	_ =	sdelay $0x1  }
0x4e: {  	vm12 =	vlt.s32 v27, v43  }
0x4f: {  	v29 =	vsel vm12, v27, v43;
	v27 =	vsel vm12, v43, v27  }
0x50: {  	v27 =	vsel vm4, v29, v27  }
0x51: {  	v44 =	vperm.xlane v27, v1  }
0x52: {  	v45 =	vperm.xlane v26, v5  }
0x53: {  	vm12 =	veq.s32 v0, $0x0;
	vm13 =	vlt.s32 v27, v44  }
0x54: {  	v29 =	vsel vm12, $0x0, v45;
	v30 =	vsel vm13, v27, v44;
	v27 =	vsel vm13, v44, v27  }
0x55: {  	v26 =	vadd.s32 v26, v29;
	v27 =	vsel vm5, v30, v27  }
0x56: {  	v46 =	vperm.xlane v26, v6;
	v47 =	vperm.xlane v27, v4;
	_ =	sdelay $0x1  }
0x57: {  	v28 =	vsel vm10, $0x0, v46;
	vm13 =	vlt.s32 v27, v47  }
0x58: {  	v26 =	vadd.s32 v28, v26;
	v48 =	vsel vm13, v27, v47;
	v27 =	vsel vm13, v47, v27  }
0x59: {  	v49 =	vperm.xlane v26, v7;
	v27 =	vsel vm6, v48, v27  }
0x5a: {  	v28 =	vperm.xlane v27, v3  }
0x5b: {  	v29 =	vsel vm11, $0x0, v49  }
0x5c: {  	v26 =	vadd.s32 v29, v26;
	vm13 =	vlt.s32 v27, v28  }
0x5d: {  	v29 =	vperm.xlane v26, v8;
	v50 =	vsel vm13, v27, v28;
	v27 =	vsel vm13, v28, v27  }
0x5e: {  	v27 =	vsel vm7, v50, v27  }
0x5f: {  	v26 =	vadd.s32 v29, v26;
	v51 =	vperm.xlane v27, v2  }
0x60: {  	(v2sf) =	vpush v26, $0xF  }
0x61: {  	vm13 =	vlt.s32 v27, v51  }
0x62: {  	v26 =	vsel vm13, v27, v51;
	v27 =	vsel vm13, v51, v27  }
0x63: {  	v26 =	vsel vm8, v26, v27  }
0x64: {  	v27 =	vperm.xlane v26, v1;
	_ =	sdelay $0x1  }
0x65: {  	vm13 =	vlt.s32 v26, v27  }
0x66: {  	v52 =	vsel vm13, v26, v27;
	v26 =	vsel vm13, v27, v26  }
0x67: {  	v26 =	vsel vm9, v52, v26  }
0x68: {  	v27 =	vshll.u32 v26, $0x3  }
0x69: {  	v26 =	vand.u32 $0x7, v26;
	v27 =	vand.u32 $0x7FFC0, v27  }
0x6a: {  	v26 =	vor.u32 v26, v27  }
0x6b: {  	v27 =	vperm.xlane v26, v11;
	_ =	sdelay $0x1  }
0x6c: {  	v53 =	vperm.xlane v26, v13;
	v27 =	vadd.s32 v12, v27  }
0x6d: {  	s16 =	spop (v2sf)  }
0x6e: {  	s14 =	sshll.u32 s16, $0xC;
	v54 =	vperm.xlane v26, v14;
	v28 =	vadd.s32 v12, v53  }
0x6f: {  	s15 =	sshra.s32 s14, $0x2  }
0x70: {  	v55 =	vperm.xlane v26, v10;
	s14 =	sadd.s32 $0x400, s15;
	v29 =	vadd.s32 v12, v54  }
0x71: {  	[hbm4b:s1+s2] =	stream.indirect_vreg.scatter [tilespmem:s14], [sflag:$0x1], $0x80, v27, vm6, $0xb8;
	[tilespmem:$0x8400] =	vst v63  }
0x72: {  	s17 =	sadd.s32 $0x800, s15;
	v30 =	vadd.s32 v12, v55;
	v27 =	vperm.xlane v26, v15  }
0x73: {  	[hbm4b:s1+s2] =	stream.indirect_vreg.scatter [tilespmem:s17], [sflag:$0x1], $0x80, v28, vm6, $0xb8;
	[tilespmem:$0x8400] =	vst v63  }
0x74: {  	v56 =	vperm.xlane v26, v16;
	s18 =	sadd.s32 $0xC00, s15;
	v27 =	vadd.s32 v12, v27  }
0x75: {  	[hbm4b:s1+s2] =	stream.indirect_vreg.scatter [tilespmem:s18], [sflag:$0x1], $0x80, v29, vm6, $0xb8;
	[tilespmem:$0x8400] =	vst v63  }
0x76: {  	v57 =	vperm.xlane v26, v17;
	s19 =	sadd.s32 $0x1000, s15;
	v28 =	vadd.s32 v12, v56  }
0x77: {  	[hbm4b:s1+s2] =	stream.indirect_vreg.scatter [tilespmem:s19], [sflag:$0x1], $0x80, v30, vm6, $0xb8;
	[tilespmem:$0x8400] =	vst v63  }
0x78: {  	v58 =	vperm.xlane v26, v9;
	s20 =	sadd.s32 $0x1400, s15;
	v29 =	vadd.s32 v12, v57  }
0x79: {  	[hbm4b:s1+s2] =	stream.indirect_vreg.scatter [tilespmem:s20], [sflag:$0x1], $0x80, v27, vm6, $0xb8;
	[tilespmem:$0x8400] =	vst v63  }
0x7a: {  	s21 =	sadd.s32 $0x1800, s15;
	v30 =	vadd.s32 v12, v58;
	v27 =	vperm.xlane v26, v18  }
0x7b: {  	[hbm4b:s1+s2] =	stream.indirect_vreg.scatter [tilespmem:s21], [sflag:$0x1], $0x80, v28, vm6, $0xb8;
	[tilespmem:$0x8400] =	vst v63  }
0x7c: {  	v59 =	vperm.xlane v26, v19;
	s22 =	sadd.s32 $0x1C00, s15;
	v27 =	vadd.s32 v12, v27  }
0x7d: {  	[hbm4b:s1+s2] =	stream.indirect_vreg.scatter [tilespmem:s22], [sflag:$0x1], $0x80, v29, vm6, $0xb8;
	[tilespmem:$0x8400] =	vst v63  }
0x7e: {  	v60 =	vperm.xlane v26, v20;
	s23 =	sadd.s32 $0x2000, s15;
	v28 =	vadd.s32 v12, v59  }
0x7f: {  	[hbm4b:s1+s2] =	stream.indirect_vreg.scatter [tilespmem:s23], [sflag:$0x1], $0x80, v30, vm6, $0xb8;
	[tilespmem:$0x8400] =	vst v63  }
0x80: {  	v61 =	vperm.xlane v26, v21;
	s24 =	sadd.s32 $0x2400, s15;
	v29 =	vadd.s32 v12, v60  }
0x81: {  	[hbm4b:s1+s2] =	stream.indirect_vreg.scatter [tilespmem:s24], [sflag:$0x1], $0x80, v27, vm6, $0xb8;
	[tilespmem:$0x8400] =	vst v63  }
0x82: {  	s25 =	sadd.s32 $0x2800, s15;
	v30 =	vadd.s32 v12, v61;
	v27 =	vperm.xlane v26, v22  }
0x83: {  	[hbm4b:s1+s2] =	stream.indirect_vreg.scatter [tilespmem:s25], [sflag:$0x1], $0x80, v28, vm6, $0xb8;
	[tilespmem:$0x8400] =	vst v63  }
0x84: {  	v62 =	vperm.xlane v26, v23;
	s26 =	sadd.s32 $0x2C00, s15;
	v27 =	vadd.s32 v12, v27  }
0x85: {  	[hbm4b:s1+s2] =	stream.indirect_vreg.scatter [tilespmem:s26], [sflag:$0x1], $0x80, v29, vm6, $0xb8;
	[tilespmem:$0x8400] =	vst v63  }
0x86: {  	v63 =	vperm.xlane v26, v24;
	s28 =	sadd.s32 $0x3000, s15;
	v28 =	vadd.s32 v12, v62  }
0x87: {  	v26 =	vperm.xlane v26, v25;
	[hbm4b:s1+s2] =	stream.indirect_vreg.scatter [tilespmem:s28], [sflag:$0x1], $0x80, v30, vm6, $0xb8;
	[tilespmem:$0x8400] =	vst v63  }
0x88: {  	s29 =	sadd.s32 $0x3400, s15;
	v29 =	vadd.s32 v12, v63  }
0x89: {  	v26 =	vadd.s32 v12, v26;
	[hbm4b:s1+s2] =	stream.indirect_vreg.scatter [tilespmem:s29], [sflag:$0x1], $0x80, v27, vm6, $0xb8;
	[tilespmem:$0x8400] =	vst v63  }
0x8a: {  	s16 =	simm.s32 $0x80;
	s30 =	sadd.s32 $0x3800, s15;
	s31 =	sadd.s32 $0x3C00, s15  }
0x8b: {  	[hbm4b:s1+s2] =	stream.indirect_vreg.scatter [tilespmem:s30], [sflag:$0x1], $0x80, v28, vm6, $0xb8;
	[tilespmem:$0x8400] =	vst v63  }
0x8c: {  	s14 =	simm.s32 $0x10;
	s17 =	sadd.s32 $0x4000, s15;
	s15 =	sadd.s32 $0x10, s7  }
0x8d: {  	[hbm4b:s1+s2] =	stream.indirect_vreg.scatter [tilespmem:s31], [sflag:$0x1], $0x80, v29, vm6, $0xb8;
	[tilespmem:$0x8400] =	vst v63  }
.LBB2_2:
0x8e: {  	[hbm4b:s1+s2] =	stream.indirect_vreg.scatter [tilespmem:s17], [sflag:$0x1], $0x80, v26, vm6, $0xb8;
	[tilespmem:$0x8400] =	vst v63  }
0x8f: {  	p0 =	sne.s32 s16, $0xFC0;
	v26 =	vld [tilespmem:s14+$0x0];
	s14 =	sshra.s32 s16, $0x2;
	s16 =	sadd.s32 $0x40, s16  }
0x90: {  	_ =	sdelay $0x3  }
0x91: {  	v27 =	vshll.u32 v26, $0x10;
	v28 =	vperm.xlane v26, v5  }
0x92: {  	v27 =	vadd.s32 s15, v27  }
0x93: {  	v27 =	vadd.s32 v0, v27;
	v28 =	vsel vm12, $0x0, v28  }
0x94: {  	v29 =	vperm.xlane v27, v1;
	v26 =	vadd.s32 v26, v28  }
0x95: {  	v28 =	vperm.xlane v26, v6  }
0x96: {  	vm13 =	vlt.s32 v27, v29  }
0x97: {  	v30 =	vsel vm13, v27, v29;
	v27 =	vsel vm13, v29, v27;
	v28 =	vsel vm10, $0x0, v28  }
0x98: {  	v27 =	vsel vm0, v30, v27;
	v26 =	vadd.s32 v28, v26  }
0x99: {  	v28 =	vperm.xlane v27, v2;
	v29 =	vperm.xlane v26, v7;
	_ =	sdelay $0x1  }
0x9a: {  	vm13 =	vlt.s32 v27, v28;
	v29 =	vsel vm11, $0x0, v29  }
0x9b: {  	v30 =	vsel vm13, v27, v28;
	v27 =	vsel vm13, v28, v27;
	v26 =	vadd.s32 v29, v26  }
0x9c: {  	v27 =	vsel vm1, v30, v27;
	v28 =	vperm.xlane v26, v8  }
0x9d: {  	v29 =	vperm.xlane v27, v1  }
0x9e: {  	v26 =	vadd.s32 v28, v26  }
0x9f: {  	vm13 =	vlt.s32 v27, v29;
	(v2sf) =	vpush v26, $0xF  }
0xa0: {  	v26 =	vsel vm13, v27, v29;
	v27 =	vsel vm13, v29, v27  }
0xa1: {  	v26 =	vsel vm2, v26, v27  }
0xa2: {  	v27 =	vperm.xlane v26, v3;
	_ =	sdelay $0x1  }
0xa3: {  	vm13 =	vlt.s32 v26, v27  }
0xa4: {  	v28 =	vsel vm13, v26, v27;
	v26 =	vsel vm13, v27, v26  }
0xa5: {  	v26 =	vsel vm3, v28, v26  }
0xa6: {  	v27 =	vperm.xlane v26, v2;
	_ =	sdelay $0x1  }
0xa7: {  	vm13 =	vlt.s32 v26, v27  }
0xa8: {  	v28 =	vsel vm13, v26, v27;
	v26 =	vsel vm13, v27, v26  }
0xa9: {  	v26 =	vsel vm4, v28, v26  }
0xaa: {  	v27 =	vperm.xlane v26, v1;
	_ =	sdelay $0x1  }
0xab: {  	vm13 =	vlt.s32 v26, v27;
	s17 =	spop (v2sf)  }
0xac: {  	v28 =	vsel vm13, v26, v27;
	v26 =	vsel vm13, v27, v26;
	s17 =	sshll.u32 s17, $0xC  }
0xad: {  	v26 =	vsel vm5, v28, v26;
	s17 =	sshra.s32 s17, $0x2  }
0xae: {  	v27 =	vperm.xlane v26, v4;
	_ =	sdelay $0x1  }
0xaf: {  	vm13 =	vlt.s32 v26, v27  }
0xb0: {  	v28 =	vsel vm13, v26, v27;
	v26 =	vsel vm13, v27, v26  }
0xb1: {  	v26 =	vsel vm6, v28, v26  }
0xb2: {  	v27 =	vperm.xlane v26, v3;
	_ =	sdelay $0x1  }
0xb3: {  	vm13 =	vlt.s32 v26, v27  }
0xb4: {  	v28 =	vsel vm13, v26, v27;
	v26 =	vsel vm13, v27, v26  }
0xb5: {  	v26 =	vsel vm7, v28, v26  }
0xb6: {  	v27 =	vperm.xlane v26, v2;
	_ =	sdelay $0x1  }
0xb7: {  	vm13 =	vlt.s32 v26, v27  }
0xb8: {  	v28 =	vsel vm13, v26, v27;
	v26 =	vsel vm13, v27, v26  }
0xb9: {  	v26 =	vsel vm8, v28, v26  }
0xba: {  	v27 =	vperm.xlane v26, v1;
	_ =	sdelay $0x1  }
0xbb: {  	vm13 =	vlt.s32 v26, v27  }
0xbc: {  	v28 =	vsel vm13, v26, v27;
	v26 =	vsel vm13, v27, v26  }
0xbd: {  	v26 =	vsel vm9, v28, v26  }
0xbe: {  	v27 =	vshll.u32 v26, $0x3  }
0xbf: {  	v26 =	vand.u32 $0x7, v26;
	v27 =	vand.u32 $0x7FFC0, v27  }
0xc0: {  	v26 =	vor.u32 v26, v27  }
0xc1: {  	v27 =	vperm.xlane v26, v11;
	v28 =	vperm.xlane v26, v13  }
0xc2: {  	v29 =	vperm.xlane v26, v14;
	v30 =	vperm.xlane v26, v10  }
0xc3: {  	v31 =	vperm.xlane v26, v15;
	v32 =	vperm.xlane v26, v16;
	v27 =	vadd.s32 v12, v27  }
0xc4: {  	v33 =	vperm.xlane v26, v17;
	v34 =	vperm.xlane v26, v9  }
0xc5: {  	v35 =	vperm.xlane v26, v18;
	v36 =	vperm.xlane v26, v19;
	v28 =	vadd.s32 v12, v28  }
0xc6: {  	v37 =	vperm.xlane v26, v20;
	v38 =	vperm.xlane v26, v21  }
0xc7: {  	s18 =	sadd.s32 $0x400, s17;
	v39 =	vperm.xlane v26, v22;
	v40 =	vperm.xlane v26, v23;
	v29 =	vadd.s32 v12, v29  }
0xc8: {  	[hbm4b:s1+s2] =	stream.indirect_vreg.scatter [tilespmem:s18], [sflag:$0x1], $0x80, v27, vm6, $0xb8;
	v27 =	vperm.xlane v26, v24;
	v26 =	vperm.xlane v26, v25;
	[tilespmem:$0x8400] =	vst v63  }
0xc9: {  	v30 =	vadd.s32 v12, v30;
	s18 =	sadd.s32 $0x800, s17  }
0xca: {  	[hbm4b:s1+s2] =	stream.indirect_vreg.scatter [tilespmem:s18], [sflag:$0x1], $0x80, v28, vm6, $0xb8;
	[tilespmem:$0x8400] =	vst v63  }
0xcb: {  	s18 =	sadd.s32 $0xC00, s17;
	v28 =	vadd.s32 v12, v31  }
0xcc: {  	[hbm4b:s1+s2] =	stream.indirect_vreg.scatter [tilespmem:s18], [sflag:$0x1], $0x80, v29, vm6, $0xb8;
	[tilespmem:$0x8400] =	vst v63  }
0xcd: {  	s18 =	sadd.s32 $0x1000, s17;
	v29 =	vadd.s32 v12, v32  }
0xce: {  	[hbm4b:s1+s2] =	stream.indirect_vreg.scatter [tilespmem:s18], [sflag:$0x1], $0x80, v30, vm6, $0xb8;
	[tilespmem:$0x8400] =	vst v63  }
0xcf: {  	s18 =	sadd.s32 $0x1400, s17;
	v30 =	vadd.s32 v12, v33  }
0xd0: {  	[hbm4b:s1+s2] =	stream.indirect_vreg.scatter [tilespmem:s18], [sflag:$0x1], $0x80, v28, vm6, $0xb8;
	[tilespmem:$0x8400] =	vst v63  }
0xd1: {  	s18 =	sadd.s32 $0x1800, s17;
	v28 =	vadd.s32 v12, v34  }
0xd2: {  	[hbm4b:s1+s2] =	stream.indirect_vreg.scatter [tilespmem:s18], [sflag:$0x1], $0x80, v29, vm6, $0xb8;
	[tilespmem:$0x8400] =	vst v63  }
0xd3: {  	s18 =	sadd.s32 $0x1C00, s17;
	v29 =	vadd.s32 v12, v35  }
0xd4: {  	[hbm4b:s1+s2] =	stream.indirect_vreg.scatter [tilespmem:s18], [sflag:$0x1], $0x80, v30, vm6, $0xb8;
	[tilespmem:$0x8400] =	vst v63  }
0xd5: {  	s18 =	sadd.s32 $0x2000, s17;
	v30 =	vadd.s32 v12, v36  }
0xd6: {  	[hbm4b:s1+s2] =	stream.indirect_vreg.scatter [tilespmem:s18], [sflag:$0x1], $0x80, v28, vm6, $0xb8;
	[tilespmem:$0x8400] =	vst v63  }
0xd7: {  	s18 =	sadd.s32 $0x2400, s17;
	v28 =	vadd.s32 v12, v37  }
0xd8: {  	[hbm4b:s1+s2] =	stream.indirect_vreg.scatter [tilespmem:s18], [sflag:$0x1], $0x80, v29, vm6, $0xb8;
	[tilespmem:$0x8400] =	vst v63  }
0xd9: {  	s18 =	sadd.s32 $0x2800, s17;
	v29 =	vadd.s32 v12, v38  }
0xda: {  	[hbm4b:s1+s2] =	stream.indirect_vreg.scatter [tilespmem:s18], [sflag:$0x1], $0x80, v30, vm6, $0xb8;
	[tilespmem:$0x8400] =	vst v63  }
0xdb: {  	s18 =	sadd.s32 $0x2C00, s17;
	v30 =	vadd.s32 v12, v39  }
0xdc: {  	[hbm4b:s1+s2] =	stream.indirect_vreg.scatter [tilespmem:s18], [sflag:$0x1], $0x80, v28, vm6, $0xb8;
	[tilespmem:$0x8400] =	vst v63  }
0xdd: {  	s18 =	sadd.s32 $0x3000, s17;
	v28 =	vadd.s32 v12, v40  }
0xde: {  	[hbm4b:s1+s2] =	stream.indirect_vreg.scatter [tilespmem:s18], [sflag:$0x1], $0x80, v29, vm6, $0xb8;
	[tilespmem:$0x8400] =	vst v63  }
0xdf: {  	v27 =	vadd.s32 v12, v27;
	s18 =	sadd.s32 $0x3400, s17  }
0xe0: {  	[hbm4b:s1+s2] =	stream.indirect_vreg.scatter [tilespmem:s18], [sflag:$0x1], $0x80, v30, vm6, $0xb8;
	[tilespmem:$0x8400] =	vst v63  }
.Ltmp0:
0xe1: {  	v26 =	vadd.s32 v12, v26;
	s18 =	sadd.s32 $0x3800, s17;
	(pc) =	sbr.rel @p0 .LBB2_2-.Ltmp0, $4  }
0xe2: {  	[hbm4b:s1+s2] =	stream.indirect_vreg.scatter [tilespmem:s18], [sflag:$0x1], $0x80, v28, vm6, $0xb8;
	[tilespmem:$0x8400] =	vst v63  }
0xe3: {  	s18 =	sadd.s32 $0x3C00, s17  }
0xe4: {  	[hbm4b:s1+s2] =	stream.indirect_vreg.scatter [tilespmem:s18], [sflag:$0x1], $0x80, v27, vm6, $0xb8;
	[tilespmem:$0x8400] =	vst v63  }
0xe5: {  	s15 =	sadd.s32 $0x10, s15;
	s17 =	sadd.s32 $0x4000, s17  }
0xe6: {  	_ =	sdelay $0x3  }
0xe7: {  	[hbm4b:s1+s2] =	stream.indirect_vreg.scatter [tilespmem:s17], [sflag:$0x1], $0x80, v26, vm6, $0xb8;
	[tilespmem:$0x8400] =	vst v63  }
0xe8: {  	v26 =	vld [tilespmem:s14+$0x0];
	_ =	sdelay $0x4  }
0xe9: {  	v27 =	vshll.u32 v26, $0x10  }
0xea: {  	v27 =	vadd.s32 s15, v27  }
0xeb: {  	v27 =	vadd.s32 v0, v27  }
0xec: {  	v28 =	vperm.xlane v27, v1;
	_ =	sdelay $0x1  }
0xed: {  	vm12 =	vlt.s32 v27, v28  }
0xee: {  	v29 =	vsel vm12, v27, v28;
	v27 =	vsel vm12, v28, v27  }
0xef: {  	v27 =	vsel vm0, v29, v27  }
0xf0: {  	v40 =	vperm.xlane v27, v2;
	_ =	sdelay $0x1  }
0xf1: {  	vm12 =	vlt.s32 v27, v40  }
0xf2: {  	v29 =	vsel vm12, v27, v40;
	v27 =	vsel vm12, v40, v27  }
0xf3: {  	v27 =	vsel vm1, v29, v27  }
0xf4: {  	v41 =	vperm.xlane v27, v1;
	_ =	sdelay $0x1  }
0xf5: {  	vm12 =	vlt.s32 v27, v41  }
0xf6: {  	v29 =	vsel vm12, v27, v41;
	v27 =	vsel vm12, v41, v27  }
0xf7: {  	v27 =	vsel vm2, v29, v27  }
0xf8: {  	v42 =	vperm.xlane v27, v3;
	_ =	sdelay $0x1  }
0xf9: {  	vm12 =	vlt.s32 v27, v42  }
0xfa: {  	v29 =	vsel vm12, v27, v42;
	v27 =	vsel vm12, v42, v27  }
0xfb: {  	v27 =	vsel vm3, v29, v27  }
0xfc: {  	v43 =	vperm.xlane v27, v2;
	_ =	sdelay $0x1  }
0xfd: {  	vm12 =	vlt.s32 v27, v43  }
0xfe: {  	v29 =	vsel vm12, v27, v43;
	v27 =	vsel vm12, v43, v27  }
0xff: {  	v27 =	vsel vm4, v29, v27  }
0x100: {  	v44 =	vperm.xlane v27, v1  }
0x101: {  	v45 =	vperm.xlane v26, v5  }
0x102: {  	vm12 =	veq.s32 v0, $0x0;
	vm13 =	vlt.s32 v27, v44  }
0x103: {  	v29 =	vsel vm12, $0x0, v45;
	v30 =	vsel vm13, v27, v44;
	v27 =	vsel vm13, v44, v27  }
0x104: {  	v26 =	vadd.s32 v26, v29;
	v27 =	vsel vm5, v30, v27  }
0x105: {  	v46 =	vperm.xlane v26, v6;
	v47 =	vperm.xlane v27, v4;
	_ =	sdelay $0x1  }
0x106: {  	v28 =	vsel vm10, $0x0, v46;
	vm12 =	vlt.s32 v27, v47  }
0x107: {  	v26 =	vadd.s32 v28, v26;
	v48 =	vsel vm12, v27, v47;
	v27 =	vsel vm12, v47, v27  }
0x108: {  	v49 =	vperm.xlane v26, v7;
	v27 =	vsel vm6, v48, v27  }
0x109: {  	v28 =	vperm.xlane v27, v3  }
0x10a: {  	v29 =	vsel vm11, $0x0, v49  }
0x10b: {  	v26 =	vadd.s32 v29, v26;
	vm12 =	vlt.s32 v27, v28  }
0x10c: {  	v29 =	vperm.xlane v26, v8;
	v50 =	vsel vm12, v27, v28;
	v27 =	vsel vm12, v28, v27  }
0x10d: {  	v27 =	vsel vm7, v50, v27  }
0x10e: {  	v26 =	vadd.s32 v29, v26;
	v51 =	vperm.xlane v27, v2  }
0x10f: {  	(v2sf) =	vpush v26, $0xF  }
0x110: {  	vm12 =	vlt.s32 v27, v51  }
0x111: {  	v26 =	vsel vm12, v27, v51;
	v27 =	vsel vm12, v51, v27  }
0x112: {  	v26 =	vsel vm8, v26, v27  }
0x113: {  	v27 =	vperm.xlane v26, v1;
	_ =	sdelay $0x1  }
0x114: {  	vm12 =	vlt.s32 v26, v27  }
0x115: {  	v52 =	vsel vm12, v26, v27;
	v26 =	vsel vm12, v27, v26  }
0x116: {  	v26 =	vsel vm9, v52, v26  }
0x117: {  	v27 =	vshll.u32 v26, $0x3  }
0x118: {  	v26 =	vand.u32 $0x7, v26;
	v27 =	vand.u32 $0x7FFC0, v27  }
0x119: {  	v26 =	vor.u32 v26, v27  }
0x11a: {  	v27 =	vperm.xlane v26, v11;
	_ =	sdelay $0x1  }
0x11b: {  	v53 =	vperm.xlane v26, v13;
	v27 =	vadd.s32 v12, v27  }
0x11c: {  	s15 =	spop (v2sf)  }
0x11d: {  	s14 =	sshll.u32 s15, $0xC;
	v54 =	vperm.xlane v26, v14;
	v28 =	vadd.s32 v12, v53  }
0x11e: {  	s14 =	sshra.s32 s14, $0x2  }
0x11f: {  	v55 =	vperm.xlane v26, v10;
	s16 =	sadd.s32 $0x400, s14;
	v29 =	vadd.s32 v12, v54  }
0x120: {  	[hbm4b:s1+s2] =	stream.indirect_vreg.scatter [tilespmem:s16], [sflag:$0x1], $0x80, v27, vm6, $0xb8;
	[tilespmem:$0x8400] =	vst v63  }
0x121: {  	s17 =	sadd.s32 $0x800, s14;
	v30 =	vadd.s32 v12, v55;
	v27 =	vperm.xlane v26, v15  }
0x122: {  	[hbm4b:s1+s2] =	stream.indirect_vreg.scatter [tilespmem:s17], [sflag:$0x1], $0x80, v28, vm6, $0xb8;
	[tilespmem:$0x8400] =	vst v63  }
0x123: {  	v56 =	vperm.xlane v26, v16;
	s18 =	sadd.s32 $0xC00, s14;
	v27 =	vadd.s32 v12, v27  }
0x124: {  	[hbm4b:s1+s2] =	stream.indirect_vreg.scatter [tilespmem:s18], [sflag:$0x1], $0x80, v29, vm6, $0xb8;
	[tilespmem:$0x8400] =	vst v63  }
0x125: {  	v57 =	vperm.xlane v26, v17;
	s19 =	sadd.s32 $0x1000, s14;
	v28 =	vadd.s32 v12, v56  }
0x126: {  	[hbm4b:s1+s2] =	stream.indirect_vreg.scatter [tilespmem:s19], [sflag:$0x1], $0x80, v30, vm6, $0xb8;
	[tilespmem:$0x8400] =	vst v63  }
0x127: {  	v58 =	vperm.xlane v26, v9;
	s20 =	sadd.s32 $0x1400, s14;
	v29 =	vadd.s32 v12, v57  }
0x128: {  	[hbm4b:s1+s2] =	stream.indirect_vreg.scatter [tilespmem:s20], [sflag:$0x1], $0x80, v27, vm6, $0xb8;
	[tilespmem:$0x8400] =	vst v63  }
0x129: {  	s21 =	sadd.s32 $0x1800, s14;
	v30 =	vadd.s32 v12, v58;
	v27 =	vperm.xlane v26, v18  }
0x12a: {  	[hbm4b:s1+s2] =	stream.indirect_vreg.scatter [tilespmem:s21], [sflag:$0x1], $0x80, v28, vm6, $0xb8;
	[tilespmem:$0x8400] =	vst v63  }
0x12b: {  	v59 =	vperm.xlane v26, v19;
	s22 =	sadd.s32 $0x1C00, s14;
	v27 =	vadd.s32 v12, v27  }
0x12c: {  	[hbm4b:s1+s2] =	stream.indirect_vreg.scatter [tilespmem:s22], [sflag:$0x1], $0x80, v29, vm6, $0xb8;
	[tilespmem:$0x8400] =	vst v63  }
0x12d: {  	v60 =	vperm.xlane v26, v20;
	s23 =	sadd.s32 $0x2000, s14;
	v28 =	vadd.s32 v12, v59  }
0x12e: {  	[hbm4b:s1+s2] =	stream.indirect_vreg.scatter [tilespmem:s23], [sflag:$0x1], $0x80, v30, vm6, $0xb8;
	[tilespmem:$0x8400] =	vst v63  }
0x12f: {  	v61 =	vperm.xlane v26, v21;
	s24 =	sadd.s32 $0x2400, s14;
	v29 =	vadd.s32 v12, v60  }
0x130: {  	[hbm4b:s1+s2] =	stream.indirect_vreg.scatter [tilespmem:s24], [sflag:$0x1], $0x80, v27, vm6, $0xb8;
	[tilespmem:$0x8400] =	vst v63  }
0x131: {  	s25 =	sadd.s32 $0x2800, s14;
	v30 =	vadd.s32 v12, v61;
	v27 =	vperm.xlane v26, v22  }
0x132: {  	[hbm4b:s1+s2] =	stream.indirect_vreg.scatter [tilespmem:s25], [sflag:$0x1], $0x80, v28, vm6, $0xb8;
	[tilespmem:$0x8400] =	vst v63  }
0x133: {  	v62 =	vperm.xlane v26, v23;
	s26 =	sadd.s32 $0x2C00, s14;
	v27 =	vadd.s32 v12, v27  }
0x134: {  	[hbm4b:s1+s2] =	stream.indirect_vreg.scatter [tilespmem:s26], [sflag:$0x1], $0x80, v29, vm6, $0xb8;
	[tilespmem:$0x8400] =	vst v63  }
0x135: {  	v63 =	vperm.xlane v26, v24;
	s28 =	sadd.s32 $0x3000, s14;
	v28 =	vadd.s32 v12, v62  }
0x136: {  	[hbm4b:s1+s2] =	stream.indirect_vreg.scatter [tilespmem:s28], [sflag:$0x1], $0x80, v30, vm6, $0xb8;
	[tilespmem:$0x8400] =	vst v63  }
0x137: {  	s29 =	sadd.s32 $0x3400, s14;
	v26 =	vperm.xlane v26, v25;
	v29 =	vadd.s32 v12, v63  }
0x138: {  	[hbm4b:s1+s2] =	stream.indirect_vreg.scatter [tilespmem:s29], [sflag:$0x1], $0x80, v27, vm6, $0xb8;
	[tilespmem:$0x8400] =	vst v63  }
0x139: {  	s13 =	sadd.s32 $0x1, s13;
	s30 =	sadd.s32 $0x3800, s14;
	v26 =	vadd.s32 v12, v26  }
0x13a: {  	[hbm4b:s1+s2] =	stream.indirect_vreg.scatter [tilespmem:s30], [sflag:$0x1], $0x80, v28, vm6, $0xb8;
	[tilespmem:$0x8400] =	vst v63  }
0x13b: {  	p0 =	sne.s32 s13, s6;
	s31 =	sadd.s32 $0x3C00, s14  }
0x13c: {  	[hbm4b:s1+s2] =	stream.indirect_vreg.scatter [tilespmem:s31], [sflag:$0x1], $0x80, v29, vm6, $0xb8;
	[tilespmem:$0x8400] =	vst v63  }
.Ltmp1:
0x13d: {  	s14 =	sadd.s32 $0x4000, s14;
	(pc) =	sbr.rel @p0 .LBB2_1-.Ltmp1, $4  }
0x13e: {  	[hbm4b:s1+s2] =	stream.indirect_vreg.scatter [tilespmem:s14], [sflag:$0x1], $0x80, v26, vm6, $0xb8;
	[tilespmem:$0x8400] =	vst v63  }
0x13f: {  	_ =	swait.ge [sflag:s12], $0x20000  }
0x140: {  	[sflag:s12] =	ssyncset.done $0x0  }
0x141: {  	[sflag:s12] =	ssyncadd.s32 $0xFFFE0000  }
0x142: {  	_ =	sfence.sel $0x180000  }
0x143: {  	[bflag:$0x0] =	sbarrier.arrive $0xFFFF  }
0x144: {  	p0 =	sne.s32 s3, $0x0;
	_ =	strace $0x90000047  }
0x145: {  	s0 =	sadd.s32 @!p0 $0x100000, s0;
	[bflag:$0x2] =	sbarrier.arrive $0xFFFF  }
0x146: {  	[sflag:s0] =	ssyncadd.tile.s32 @!p0 $0x1;
	_ =	shalt  }
.Lfunc_end2:
_tile_overlayer_lowered:
.L_overlay_start_2:
0x147: {  	(tag) =	ssettag $0x2  }
0x148: {  	s0 =	rddreg [dreg:$0x0];
	s2 =	stileid.u32  }
0x149: {  	s1 =	rddreg [dreg:$0x1];
	p0 =	sne.s32 s2, $0x0  }
0x14a: {  	s3 =	rddreg [dreg:$0x2];
	[bflag:$0x3] =	sbarrier.arrive $0xFFFF;
	s2 =	simm.s32 @!p0 $0x1C02  }
0x14b: {  	[timem:s3], [sflag:s2] =	dma.local @!p0 [hbm:s0], s1  }
0x14c: {  	s0 =	simm.s32 @!p0 $0x2  }
0x14d: {  	_ =	swait.ge @!p0 [sflag:s0], s1  }
0x14e: {  	s1 =	ssub.s32 @!p0 $0x0, s1;
	[sflag:s0] =	ssyncset.done @!p0 $0x0  }
0x14f: {  	[sflag:s0] =	ssyncadd.s32 @!p0 s1  }
0x150: {  	[bflag:$0x3] =	sbarrier.arrive $0xFFFF  }
0x151: {  	_ =	shalt  }

</sc_bundles>
